<compile_context>
chip_gen: v7x
topology: tpu7x:2x2x1
jax: 0.10.2.dev20260603
libtpu: 0.0.44.dev20260713+nightly
codegen_flags: <defaults>
</compile_context>

<pallas_src>
import functools
import math

import jax
import jax.numpy as jnp
import numpy as np
from jax import lax
from jax.experimental import pallas as pl
from jax.experimental.pallas import tpu as pltpu
from jax.experimental.pallas import tpu_sc as plsc

_ROTS = ((13, 15, 26, 6), (17, 29, 16, 24))
_TINY = np.float32(np.finfo(np.float32).tiny)
_INTMAX = np.int32(np.iinfo(np.int32).max)

_NC, _NS, _L = 2, 16, 16
_NW = _NC * _NS
_SC_ROWS = 24
_SC_CHUNK = 6000


def _threefry_bits(p):
    k0 = jnp.uint32(0)
    k1 = jnp.uint32(1)
    ks = (k0, k1, jnp.uint32(0x1BD11BDA) ^ k0 ^ k1)
    x0 = jnp.full_like(p, k0)
    x1 = p + k1
    for i in range(5):
        for r in _ROTS[i % 2]:
            x0 = x0 + x1
            x1 = (x1 << jnp.uint32(r)) | (x1 >> jnp.uint32(32 - r))
            x1 = x0 ^ x1
        x0 = x0 + ks[(i + 1) % 3]
        x1 = x1 + ks[(i + 2) % 3] + jnp.uint32(i + 1)
    return x0 ^ x1


def _uniform(bits):
    fb = (bits >> jnp.uint32(9)) | jnp.uint32(0x3F800000)
    f = lax.bitcast_convert_type(fb, jnp.float32) - jnp.float32(1.0)
    return jnp.maximum(f + _TINY, _TINY)


def _gumbel_from_u(u):
    return -jnp.log(-jnp.log(u))


def _make_sc_uniform(r0, vocab):
    n = _SC_ROWS * vocab
    ew = n // _NW
    assert n % _NW == 0 and ew % _SC_CHUNK == 0 and _SC_CHUNK % _L == 0
    nchunks = ew // _SC_CHUNK
    mesh = plsc.VectorSubcoreMesh(core_axis_name="c", subcore_axis_name="s",
                                  num_cores=_NC, num_subcores=_NS)

    def body(u_hbm, buf):
        wid = lax.axis_index("s") * _NC + lax.axis_index("c")
        base = wid * ew
        lane = lax.iota(jnp.uint32, _L)
        p_row0 = jnp.uint32(r0 * vocab)

        def chunk_body(ci, carry):
            p0 = p_row0 + (base + ci * _SC_CHUNK).astype(jnp.uint32)

            def vec_body(jj, c2):
                p = p0 + (jj * _L).astype(jnp.uint32) + lane
                buf[pl.ds(jj * _L, _L)] = _uniform(_threefry_bits(p))
                return c2

            lax.fori_loop(0, _SC_CHUNK // _L, vec_body, 0, unroll=2)
            pltpu.sync_copy(buf, u_hbm.at[pl.ds(base + ci * _SC_CHUNK,
                                                _SC_CHUNK)])
            return carry

        lax.fori_loop(0, nchunks, chunk_body, 0)

    return pl.kernel(body,
                     out_type=jax.ShapeDtypeStruct((n,), jnp.float32),
                     mesh=mesh,
                     scratch_types=[pltpu.VMEM((_SC_CHUNK,), jnp.float32)])


def _tc_full_kernel(t_ref, x_ref, out_ref, yrun, iyrun, xrun, ixrun,
                    *, blk, ncb, vocab):
    i = pl.program_id(0)

    @pl.when(i == 0)
    def _init():
        yrun[...] = jnp.full_like(yrun, -jnp.inf)
        iyrun[...] = jnp.zeros_like(iyrun)
        xrun[...] = jnp.full_like(xrun, -jnp.inf)
        ixrun[...] = jnp.zeros_like(ixrun)

    x = x_ref[...]
    safe_t = jnp.maximum(t_ref[...], jnp.float32(1e-6))
    col = lax.broadcasted_iota(jnp.int32, x.shape, 1) + i * blk
    p = col.astype(jnp.uint32) + (
        lax.broadcasted_iota(jnp.uint32, x.shape, 0) * jnp.uint32(vocab))
    g = _gumbel_from_u(_uniform(_threefry_bits(p)))
    valid = col < vocab
    y = jnp.where(valid, x / safe_t + g, -jnp.inf)
    xv = jnp.where(valid, x, -jnp.inf)

    bmy = jnp.max(y, axis=1, keepdims=True)
    biy = jnp.min(jnp.where(y == bmy, col, _INTMAX), axis=1, keepdims=True)
    updy = bmy > yrun[...]
    iyrun[...] = jnp.where(updy, biy, iyrun[...])
    yrun[...] = jnp.where(updy, bmy, yrun[...])

    bmx = jnp.max(xv, axis=1, keepdims=True)
    bix = jnp.min(jnp.where(xv == bmx, col, _INTMAX), axis=1, keepdims=True)
    updx = bmx > xrun[...]
    ixrun[...] = jnp.where(updx, bix, ixrun[...])
    xrun[...] = jnp.where(updx, bmx, xrun[...])

    @pl.when(i == ncb - 1)
    def _last():
        out_ref[...] = jnp.where(t_ref[...] <= jnp.float32(1e-6),
                                 ixrun[...], iyrun[...])


def _tc_fold_kernel(t_ref, x_ref, u_ref, out_ref, yrun, iyrun, xrun, ixrun,
                    *, blk, ncb, vocab):
    i = pl.program_id(1)

    @pl.when(i == 0)
    def _init():
        yrun[...] = jnp.full_like(yrun, -jnp.inf)
        iyrun[...] = jnp.zeros_like(iyrun)
        xrun[...] = jnp.full_like(xrun, -jnp.inf)
        ixrun[...] = jnp.zeros_like(ixrun)

    x = x_ref[...]
    safe_t = jnp.maximum(t_ref[...], jnp.float32(1e-6))
    col = lax.broadcasted_iota(jnp.int32, x.shape, 1) + i * blk
    g = _gumbel_from_u(u_ref[...])
    valid = col < vocab
    y = jnp.where(valid, x / safe_t + g, -jnp.inf)
    xv = jnp.where(valid, x, -jnp.inf)

    bmy = jnp.max(y, axis=1, keepdims=True)
    biy = jnp.min(jnp.where(y == bmy, col, _INTMAX), axis=1, keepdims=True)
    updy = bmy > yrun[...]
    iyrun[...] = jnp.where(updy, biy, iyrun[...])
    yrun[...] = jnp.where(updy, bmy, yrun[...])

    bmx = jnp.max(xv, axis=1, keepdims=True)
    bix = jnp.min(jnp.where(xv == bmx, col, _INTMAX), axis=1, keepdims=True)
    updx = bmx > xrun[...]
    ixrun[...] = jnp.where(updx, bix, ixrun[...])
    xrun[...] = jnp.where(updx, bmx, xrun[...])

    @pl.when(i == ncb - 1)
    def _last():
        out_ref[...] = jnp.where(t_ref[...] <= jnp.float32(1e-6),
                                 ixrun[...], iyrun[...])


def _tc_only(logits, t2, blk, ncb):
    rows, vocab = logits.shape
    out = pl.pallas_call(
        functools.partial(_tc_full_kernel, blk=blk, ncb=ncb, vocab=vocab),
        grid=(ncb,),
        in_specs=[pl.BlockSpec((rows, 1), lambda i: (0, 0)),
                  pl.BlockSpec((rows, blk), lambda i: (0, i))],
        out_specs=pl.BlockSpec((rows, 1), lambda i: (0, 0)),
        out_shape=jax.ShapeDtypeStruct((rows, 1), jnp.int32),
        scratch_shapes=[pltpu.VMEM((rows, 1), jnp.float32),
                        pltpu.VMEM((rows, 1), jnp.int32),
                        pltpu.VMEM((rows, 1), jnp.float32),
                        pltpu.VMEM((rows, 1), jnp.int32)],
    )(t2, logits)
    return out.reshape(rows)


@functools.partial(jax.jit, static_argnames=("blk",))
def _sample(logits, temperatures, blk=16384):
    rows, vocab = logits.shape
    ncb = math.ceil(vocab / blk)
    t2 = temperatures.reshape(rows, 1)
    r0 = rows - _SC_ROWS
    grp = 8
    ngrp = _SC_ROWS // grp

    n_sc = _SC_ROWS * vocab
    hybrid_ok = (r0 > 0 and r0 % grp == 0 and n_sc % _NW == 0
                 and (n_sc // _NW) % _SC_CHUNK == 0)
    if not hybrid_ok:
        return _tc_only(logits, t2, blk, ncb)

    u_flat = _make_sc_uniform(r0, vocab)()
    u = u_flat.reshape(_SC_ROWS, vocab)

    out_a = pl.pallas_call(
        functools.partial(_tc_full_kernel, blk=blk, ncb=ncb, vocab=vocab),
        grid=(ncb,),
        in_specs=[pl.BlockSpec((r0, 1), lambda i: (0, 0)),
                  pl.BlockSpec((r0, blk), lambda i: (0, i))],
        out_specs=pl.BlockSpec((r0, 1), lambda i: (0, 0)),
        out_shape=jax.ShapeDtypeStruct((r0, 1), jnp.int32),
        scratch_shapes=[pltpu.VMEM((r0, 1), jnp.float32),
                        pltpu.VMEM((r0, 1), jnp.int32),
                        pltpu.VMEM((r0, 1), jnp.float32),
                        pltpu.VMEM((r0, 1), jnp.int32)],
    )(t2, logits)

    out_b = pl.pallas_call(
        functools.partial(_tc_fold_kernel, blk=blk, ncb=ncb, vocab=vocab),
        grid=(ngrp, ncb),
        in_specs=[pl.BlockSpec((grp, 1), lambda g, i: (r0 // grp + g, 0)),
                  pl.BlockSpec((grp, blk), lambda g, i: (r0 // grp + g, i)),
                  pl.BlockSpec((grp, blk), lambda g, i: (g, i))],
        out_specs=pl.BlockSpec((grp, 1), lambda g, i: (g, 0)),
        out_shape=jax.ShapeDtypeStruct((_SC_ROWS, 1), jnp.int32),
        scratch_shapes=[pltpu.VMEM((grp, 1), jnp.float32),
                        pltpu.VMEM((grp, 1), jnp.int32),
                        pltpu.VMEM((grp, 1), jnp.float32),
                        pltpu.VMEM((grp, 1), jnp.int32)],
    )(t2, logits, u)

    return jnp.concatenate([out_a.reshape(r0), out_b.reshape(_SC_ROWS)])


def kernel(logits, temperatures):
    if logits.ndim == 1:
        logits = logits[None, :]
    temperatures = jnp.reshape(temperatures, (-1,))
    if temperatures.shape[0] == 1 and logits.shape[0] > 1:
        temperatures = jnp.repeat(temperatures, logits.shape[0])
    return _sample(logits, temperatures)

# --- scband reference (transcript-rebuilt; emitter-appended) ---
"""Pipeline reference for scband-sampler-89386859364711 (READ-ONLY COPY).

The authoritative reference and input builder live on the scoring server;
editing this copy changes nothing except your own understanding.
"""

import jax, jax.numpy as jnp
import numpy as np


def setup_inputs(seed: int = 0) -> dict:
    key = jax.random.key(seed)
    k1, k2 = jax.random.split(key)
    logits = jax.random.normal(k1, (64, 1000000), dtype=jnp.float32)
    temperatures = jax.random.uniform(k2, (64,), dtype=jnp.float32)
    return {"logits": logits, "temperatures": temperatures}


def reference(logits, temperatures):
    # Faithful translation of Sampler.forward
    if logits.ndim == 1:
        logits = logits[None, :]
    temperatures = jnp.reshape(temperatures, (-1,))
    if temperatures.shape[0] == 1 and logits.shape[0] > 1:
        temperatures = jnp.repeat(temperatures, logits.shape[0])
    greedy_indices = jnp.argmax(logits, axis=-1)
    # Temperature-scaled logits, shifted by row max for numerical stability
    safe_t = jnp.maximum(temperatures, 1e-06)
    scaled = logits / safe_t[:, None]
    scaled = scaled - jnp.max(scaled, axis=-1, keepdims=True)
    # multinomial(softmax(scaled)) == categorical over scaled logits (gumbel-max)
    sample_key = jax.random.key(1)
    sampled = jax.random.categorical(sample_key, scaled, axis=-1)
    # Per-row: greedy when temperature <= 1e-6, otherwise the temperature sample
    next_token_ids = jnp.where(temperatures <= 1e-06, greedy_indices, sampled)
    return next_token_ids

if __name__ == "__main__":
    import jax
    _d = setup_inputs()
    print(jax.jit(kernel)(*tuple(_d.values())))

</pallas_src>

<mosaic_0001>
#map = affine_map<(d0, d1) -> (0)>
module attributes {stable_mosaic.version = 14 : i64} {
  func.func @body(%arg0: i32, %arg1: i32, %arg2: memref<24000000xf32, #tpu.memory_space<hbm>>, %arg3: memref<6000xf32, #tpu.memory_space<vmem>>) attributes {dimension_semantics = [#tpu.dimension_semantics<core_parallel>, #tpu.dimension_semantics<subcore_parallel>], iteration_bounds = array<i64: 2, 16>, scalar_prefetch = 0 : i64, scratch_operands = 1 : i64, tpu.core_type = #tpu.core_type<sc_vector_subcore>, window_params = [{transform_indices = #map}]} {
    %mul3A = arith.constant 2 : i32
    %mul3A_0 = arith.muli %arg1, %mul3A : i32
    %add3A = arith.addi %mul3A_0, %arg0 : i32
    %mul3A_1 = arith.constant 750000 : i32
    %mul3A_2 = arith.muli %add3A, %mul3A_1 : i32
    %iota3A = tpu.iota {dimensions = array<i32: 0>} : vector<16xi32>
    %scan3A = arith.constant 0 : i32
    %scan3A_3 = arith.constant 40000000 : i32
    %scan3A_4 = arith.constant 0 : i32
    %scan3A_5 = arith.constant 125 : i32
    %scan3A_6 = arith.addi %scan3A_4, %scan3A_5 : i32
    %scan3A_7 = arith.constant 1 : i32
    scf.for %scan3A_9 = %scan3A_4 to %scan3A_6 step %scan3A_7  : i32 {
      %mul3A_10 = arith.constant 6000 : i32
      %mul3A_11 = arith.muli %scan3A_9, %mul3A_10 : i32
      %add3A_12 = arith.addi %mul3A_2, %mul3A_11 : i32
      %add3A_13 = arith.addi %scan3A_3, %add3A_12 : i32
      %scan3A_14 = arith.constant 0 : i32
      %scan3A_15 = arith.constant 0 : i32
      %scan3A_16 = arith.constant 374 : i32
      %scan3A_17 = arith.addi %scan3A_15, %scan3A_16 : i32
      %scan3A_18 = arith.constant 2 : i32
      scf.for %scan3A_275 = %scan3A_15 to %scan3A_17 step %scan3A_18  : i32 {
        %mul3A_276 = arith.constant 16 : i32
        %mul3A_277 = arith.muli %scan3A_275, %mul3A_276 : i32
        %add3A_278 = arith.addi %add3A_13, %mul3A_277 : i32
        %add3A_279 = vector.broadcast %add3A_278 : i32 to vector<16xi32>
        %add3A_280 = arith.addi %add3A_279, %iota3A : vector<16xi32>
        %xor3A_281 = arith.constant 466688986 : i32
        %xor3A_282 = arith.constant 0 : i32
        %xor3A_283 = arith.xori %xor3A_281, %xor3A_282 : i32
        %xor3A_284 = arith.constant 1 : i32
        %xor3A_285 = arith.xori %xor3A_283, %xor3A_284 : i32
        %broadcast_in_dim3A_286 = arith.constant 0 : i32
        %broadcast_in_dim3A_287 = vector.broadcast %broadcast_in_dim3A_286 : i32 to vector<16xi32>
        %add3A_288 = arith.constant 1 : i32
        %add3A_289 = vector.broadcast %add3A_288 : i32 to vector<16xi32>
        %add3A_290 = arith.addi %add3A_280, %add3A_289 : vector<16xi32>
        %add3A_291 = arith.addi %broadcast_in_dim3A_287, %add3A_290 : vector<16xi32>
        %shift_left3A_292 = arith.constant 13 : i32
        %shift_left3A_293 = vector.broadcast %shift_left3A_292 : i32 to vector<16xi32>
        %shift_left3A_294 = arith.shli %add3A_290, %shift_left3A_293 : vector<16xi32>
        %shift_right_logical3A_295 = arith.constant 19 : i32
        %shift_right_logical3A_296 = vector.broadcast %shift_right_logical3A_295 : i32 to vector<16xi32>
        %shift_right_logical3A_297 = arith.shrui %add3A_290, %shift_right_logical3A_296 : vector<16xi32>
        %or3A_298 = arith.ori %shift_left3A_294, %shift_right_logical3A_297 : vector<16xi32>
        %xor3A_299 = arith.xori %add3A_291, %or3A_298 : vector<16xi32>
        %add3A_300 = arith.addi %add3A_291, %xor3A_299 : vector<16xi32>
        %shift_left3A_301 = arith.constant 15 : i32
        %shift_left3A_302 = vector.broadcast %shift_left3A_301 : i32 to vector<16xi32>
        %shift_left3A_303 = arith.shli %xor3A_299, %shift_left3A_302 : vector<16xi32>
        %shift_right_logical3A_304 = arith.constant 17 : i32
        %shift_right_logical3A_305 = vector.broadcast %shift_right_logical3A_304 : i32 to vector<16xi32>
        %shift_right_logical3A_306 = arith.shrui %xor3A_299, %shift_right_logical3A_305 : vector<16xi32>
        %or3A_307 = arith.ori %shift_left3A_303, %shift_right_logical3A_306 : vector<16xi32>
        %xor3A_308 = arith.xori %add3A_300, %or3A_307 : vector<16xi32>
        %add3A_309 = arith.addi %add3A_300, %xor3A_308 : vector<16xi32>
        %shift_left3A_310 = arith.constant 26 : i32
        %shift_left3A_311 = vector.broadcast %shift_left3A_310 : i32 to vector<16xi32>
        %shift_left3A_312 = arith.shli %xor3A_308, %shift_left3A_311 : vector<16xi32>
        %shift_right_logical3A_313 = arith.constant 6 : i32
        %shift_right_logical3A_314 = vector.broadcast %shift_right_logical3A_313 : i32 to vector<16xi32>
        %shift_right_logical3A_315 = arith.shrui %xor3A_308, %shift_right_logical3A_314 : vector<16xi32>
        %or3A_316 = arith.ori %shift_left3A_312, %shift_right_logical3A_315 : vector<16xi32>
        %xor3A_317 = arith.xori %add3A_309, %or3A_316 : vector<16xi32>
        %add3A_318 = arith.addi %add3A_309, %xor3A_317 : vector<16xi32>
        %shift_left3A_319 = arith.constant 6 : i32
        %shift_left3A_320 = vector.broadcast %shift_left3A_319 : i32 to vector<16xi32>
        %shift_left3A_321 = arith.shli %xor3A_317, %shift_left3A_320 : vector<16xi32>
        %shift_right_logical3A_322 = arith.constant 26 : i32
        %shift_right_logical3A_323 = vector.broadcast %shift_right_logical3A_322 : i32 to vector<16xi32>
        %shift_right_logical3A_324 = arith.shrui %xor3A_317, %shift_right_logical3A_323 : vector<16xi32>
        %or3A_325 = arith.ori %shift_left3A_321, %shift_right_logical3A_324 : vector<16xi32>
        %xor3A_326 = arith.xori %add3A_318, %or3A_325 : vector<16xi32>
        %add3A_327 = arith.constant 1 : i32
        %add3A_328 = vector.broadcast %add3A_327 : i32 to vector<16xi32>
        %add3A_329 = arith.addi %add3A_318, %add3A_328 : vector<16xi32>
        %add3A_330 = vector.broadcast %xor3A_285 : i32 to vector<16xi32>
        %add3A_331 = arith.addi %xor3A_326, %add3A_330 : vector<16xi32>
        %add3A_332 = arith.constant 1 : i32
        %add3A_333 = vector.broadcast %add3A_332 : i32 to vector<16xi32>
        %add3A_334 = arith.addi %add3A_331, %add3A_333 : vector<16xi32>
        %add3A_335 = arith.addi %add3A_329, %add3A_334 : vector<16xi32>
        %shift_left3A_336 = arith.constant 17 : i32
        %shift_left3A_337 = vector.broadcast %shift_left3A_336 : i32 to vector<16xi32>
        %shift_left3A_338 = arith.shli %add3A_334, %shift_left3A_337 : vector<16xi32>
        %shift_right_logical3A_339 = arith.constant 15 : i32
        %shift_right_logical3A_340 = vector.broadcast %shift_right_logical3A_339 : i32 to vector<16xi32>
        %shift_right_logical3A_341 = arith.shrui %add3A_334, %shift_right_logical3A_340 : vector<16xi32>
        %or3A_342 = arith.ori %shift_left3A_338, %shift_right_logical3A_341 : vector<16xi32>
        %xor3A_343 = arith.xori %add3A_335, %or3A_342 : vector<16xi32>
        %add3A_344 = arith.addi %add3A_335, %xor3A_343 : vector<16xi32>
        %shift_left3A_345 = arith.constant 29 : i32
        %shift_left3A_346 = vector.broadcast %shift_left3A_345 : i32 to vector<16xi32>
        %shift_left3A_347 = arith.shli %xor3A_343, %shift_left3A_346 : vector<16xi32>
        %shift_right_logical3A_348 = arith.constant 3 : i32
        %shift_right_logical3A_349 = vector.broadcast %shift_right_logical3A_348 : i32 to vector<16xi32>
        %shift_right_logical3A_350 = arith.shrui %xor3A_343, %shift_right_logical3A_349 : vector<16xi32>
        %or3A_351 = arith.ori %shift_left3A_347, %shift_right_logical3A_350 : vector<16xi32>
        %xor3A_352 = arith.xori %add3A_344, %or3A_351 : vector<16xi32>
        %add3A_353 = arith.addi %add3A_344, %xor3A_352 : vector<16xi32>
        %shift_left3A_354 = arith.constant 16 : i32
        %shift_left3A_355 = vector.broadcast %shift_left3A_354 : i32 to vector<16xi32>
        %shift_left3A_356 = arith.shli %xor3A_352, %shift_left3A_355 : vector<16xi32>
        %shift_right_logical3A_357 = arith.constant 16 : i32
        %shift_right_logical3A_358 = vector.broadcast %shift_right_logical3A_357 : i32 to vector<16xi32>
        %shift_right_logical3A_359 = arith.shrui %xor3A_352, %shift_right_logical3A_358 : vector<16xi32>
        %or3A_360 = arith.ori %shift_left3A_356, %shift_right_logical3A_359 : vector<16xi32>
        %xor3A_361 = arith.xori %add3A_353, %or3A_360 : vector<16xi32>
        %add3A_362 = arith.addi %add3A_353, %xor3A_361 : vector<16xi32>
        %shift_left3A_363 = arith.constant 24 : i32
        %shift_left3A_364 = vector.broadcast %shift_left3A_363 : i32 to vector<16xi32>
        %shift_left3A_365 = arith.shli %xor3A_361, %shift_left3A_364 : vector<16xi32>
        %shift_right_logical3A_366 = arith.constant 8 : i32
        %shift_right_logical3A_367 = vector.broadcast %shift_right_logical3A_366 : i32 to vector<16xi32>
        %shift_right_logical3A_368 = arith.shrui %xor3A_361, %shift_right_logical3A_367 : vector<16xi32>
        %or3A_369 = arith.ori %shift_left3A_365, %shift_right_logical3A_368 : vector<16xi32>
        %xor3A_370 = arith.xori %add3A_362, %or3A_369 : vector<16xi32>
        %add3A_371 = vector.broadcast %xor3A_285 : i32 to vector<16xi32>
        %add3A_372 = arith.addi %add3A_362, %add3A_371 : vector<16xi32>
        %add3A_373 = arith.constant 0 : i32
        %add3A_374 = vector.broadcast %add3A_373 : i32 to vector<16xi32>
        %add3A_375 = arith.addi %xor3A_370, %add3A_374 : vector<16xi32>
        %add3A_376 = arith.constant 2 : i32
        %add3A_377 = vector.broadcast %add3A_376 : i32 to vector<16xi32>
        %add3A_378 = arith.addi %add3A_375, %add3A_377 : vector<16xi32>
        %add3A_379 = arith.addi %add3A_372, %add3A_378 : vector<16xi32>
        %shift_left3A_380 = arith.constant 13 : i32
        %shift_left3A_381 = vector.broadcast %shift_left3A_380 : i32 to vector<16xi32>
        %shift_left3A_382 = arith.shli %add3A_378, %shift_left3A_381 : vector<16xi32>
        %shift_right_logical3A_383 = arith.constant 19 : i32
        %shift_right_logical3A_384 = vector.broadcast %shift_right_logical3A_383 : i32 to vector<16xi32>
        %shift_right_logical3A_385 = arith.shrui %add3A_378, %shift_right_logical3A_384 : vector<16xi32>
        %or3A_386 = arith.ori %shift_left3A_382, %shift_right_logical3A_385 : vector<16xi32>
        %xor3A_387 = arith.xori %add3A_379, %or3A_386 : vector<16xi32>
        %add3A_388 = arith.addi %add3A_379, %xor3A_387 : vector<16xi32>
        %shift_left3A_389 = arith.constant 15 : i32
        %shift_left3A_390 = vector.broadcast %shift_left3A_389 : i32 to vector<16xi32>
        %shift_left3A_391 = arith.shli %xor3A_387, %shift_left3A_390 : vector<16xi32>
        %shift_right_logical3A_392 = arith.constant 17 : i32
        %shift_right_logical3A_393 = vector.broadcast %shift_right_logical3A_392 : i32 to vector<16xi32>
        %shift_right_logical3A_394 = arith.shrui %xor3A_387, %shift_right_logical3A_393 : vector<16xi32>
        %or3A_395 = arith.ori %shift_left3A_391, %shift_right_logical3A_394 : vector<16xi32>
        %xor3A_396 = arith.xori %add3A_388, %or3A_395 : vector<16xi32>
        %add3A_397 = arith.addi %add3A_388, %xor3A_396 : vector<16xi32>
        %shift_left3A_398 = arith.constant 26 : i32
        %shift_left3A_399 = vector.broadcast %shift_left3A_398 : i32 to vector<16xi32>
        %shift_left3A_400 = arith.shli %xor3A_396, %shift_left3A_399 : vector<16xi32>
        %shift_right_logical3A_401 = arith.constant 6 : i32
        %shift_right_logical3A_402 = vector.broadcast %shift_right_logical3A_401 : i32 to vector<16xi32>
        %shift_right_logical3A_403 = arith.shrui %xor3A_396, %shift_right_logical3A_402 : vector<16xi32>
        %or3A_404 = arith.ori %shift_left3A_400, %shift_right_logical3A_403 : vector<16xi32>
        %xor3A_405 = arith.xori %add3A_397, %or3A_404 : vector<16xi32>
        %add3A_406 = arith.addi %add3A_397, %xor3A_405 : vector<16xi32>
        %shift_left3A_407 = arith.constant 6 : i32
        %shift_left3A_408 = vector.broadcast %shift_left3A_407 : i32 to vector<16xi32>
        %shift_left3A_409 = arith.shli %xor3A_405, %shift_left3A_408 : vector<16xi32>
        %shift_right_logical3A_410 = arith.constant 26 : i32
        %shift_right_logical3A_411 = vector.broadcast %shift_right_logical3A_410 : i32 to vector<16xi32>
        %shift_right_logical3A_412 = arith.shrui %xor3A_405, %shift_right_logical3A_411 : vector<16xi32>
        %or3A_413 = arith.ori %shift_left3A_409, %shift_right_logical3A_412 : vector<16xi32>
        %xor3A_414 = arith.xori %add3A_406, %or3A_413 : vector<16xi32>
        %add3A_415 = arith.constant 0 : i32
        %add3A_416 = vector.broadcast %add3A_415 : i32 to vector<16xi32>
        %add3A_417 = arith.addi %add3A_406, %add3A_416 : vector<16xi32>
        %add3A_418 = arith.constant 1 : i32
        %add3A_419 = vector.broadcast %add3A_418 : i32 to vector<16xi32>
        %add3A_420 = arith.addi %xor3A_414, %add3A_419 : vector<16xi32>
        %add3A_421 = arith.constant 3 : i32
        %add3A_422 = vector.broadcast %add3A_421 : i32 to vector<16xi32>
        %add3A_423 = arith.addi %add3A_420, %add3A_422 : vector<16xi32>
        %add3A_424 = arith.addi %add3A_417, %add3A_423 : vector<16xi32>
        %shift_left3A_425 = arith.constant 17 : i32
        %shift_left3A_426 = vector.broadcast %shift_left3A_425 : i32 to vector<16xi32>
        %shift_left3A_427 = arith.shli %add3A_423, %shift_left3A_426 : vector<16xi32>
        %shift_right_logical3A_428 = arith.constant 15 : i32
        %shift_right_logical3A_429 = vector.broadcast %shift_right_logical3A_428 : i32 to vector<16xi32>
        %shift_right_logical3A_430 = arith.shrui %add3A_423, %shift_right_logical3A_429 : vector<16xi32>
        %or3A_431 = arith.ori %shift_left3A_427, %shift_right_logical3A_430 : vector<16xi32>
        %xor3A_432 = arith.xori %add3A_424, %or3A_431 : vector<16xi32>
        %add3A_433 = arith.addi %add3A_424, %xor3A_432 : vector<16xi32>
        %shift_left3A_434 = arith.constant 29 : i32
        %shift_left3A_435 = vector.broadcast %shift_left3A_434 : i32 to vector<16xi32>
        %shift_left3A_436 = arith.shli %xor3A_432, %shift_left3A_435 : vector<16xi32>
        %shift_right_logical3A_437 = arith.constant 3 : i32
        %shift_right_logical3A_438 = vector.broadcast %shift_right_logical3A_437 : i32 to vector<16xi32>
        %shift_right_logical3A_439 = arith.shrui %xor3A_432, %shift_right_logical3A_438 : vector<16xi32>
        %or3A_440 = arith.ori %shift_left3A_436, %shift_right_logical3A_439 : vector<16xi32>
        %xor3A_441 = arith.xori %add3A_433, %or3A_440 : vector<16xi32>
        %add3A_442 = arith.addi %add3A_433, %xor3A_441 : vector<16xi32>
        %shift_left3A_443 = arith.constant 16 : i32
        %shift_left3A_444 = vector.broadcast %shift_left3A_443 : i32 to vector<16xi32>
        %shift_left3A_445 = arith.shli %xor3A_441, %shift_left3A_444 : vector<16xi32>
        %shift_right_logical3A_446 = arith.constant 16 : i32
        %shift_right_logical3A_447 = vector.broadcast %shift_right_logical3A_446 : i32 to vector<16xi32>
        %shift_right_logical3A_448 = arith.shrui %xor3A_441, %shift_right_logical3A_447 : vector<16xi32>
        %or3A_449 = arith.ori %shift_left3A_445, %shift_right_logical3A_448 : vector<16xi32>
        %xor3A_450 = arith.xori %add3A_442, %or3A_449 : vector<16xi32>
        %add3A_451 = arith.addi %add3A_442, %xor3A_450 : vector<16xi32>
        %shift_left3A_452 = arith.constant 24 : i32
        %shift_left3A_453 = vector.broadcast %shift_left3A_452 : i32 to vector<16xi32>
        %shift_left3A_454 = arith.shli %xor3A_450, %shift_left3A_453 : vector<16xi32>
        %shift_right_logical3A_455 = arith.constant 8 : i32
        %shift_right_logical3A_456 = vector.broadcast %shift_right_logical3A_455 : i32 to vector<16xi32>
        %shift_right_logical3A_457 = arith.shrui %xor3A_450, %shift_right_logical3A_456 : vector<16xi32>
        %or3A_458 = arith.ori %shift_left3A_454, %shift_right_logical3A_457 : vector<16xi32>
        %xor3A_459 = arith.xori %add3A_451, %or3A_458 : vector<16xi32>
        %add3A_460 = arith.constant 1 : i32
        %add3A_461 = vector.broadcast %add3A_460 : i32 to vector<16xi32>
        %add3A_462 = arith.addi %add3A_451, %add3A_461 : vector<16xi32>
        %add3A_463 = vector.broadcast %xor3A_285 : i32 to vector<16xi32>
        %add3A_464 = arith.addi %xor3A_459, %add3A_463 : vector<16xi32>
        %add3A_465 = arith.constant 4 : i32
        %add3A_466 = vector.broadcast %add3A_465 : i32 to vector<16xi32>
        %add3A_467 = arith.addi %add3A_464, %add3A_466 : vector<16xi32>
        %add3A_468 = arith.addi %add3A_462, %add3A_467 : vector<16xi32>
        %shift_left3A_469 = arith.constant 13 : i32
        %shift_left3A_470 = vector.broadcast %shift_left3A_469 : i32 to vector<16xi32>
        %shift_left3A_471 = arith.shli %add3A_467, %shift_left3A_470 : vector<16xi32>
        %shift_right_logical3A_472 = arith.constant 19 : i32
        %shift_right_logical3A_473 = vector.broadcast %shift_right_logical3A_472 : i32 to vector<16xi32>
        %shift_right_logical3A_474 = arith.shrui %add3A_467, %shift_right_logical3A_473 : vector<16xi32>
        %or3A_475 = arith.ori %shift_left3A_471, %shift_right_logical3A_474 : vector<16xi32>
        %xor3A_476 = arith.xori %add3A_468, %or3A_475 : vector<16xi32>
        %add3A_477 = arith.addi %add3A_468, %xor3A_476 : vector<16xi32>
        %shift_left3A_478 = arith.constant 15 : i32
        %shift_left3A_479 = vector.broadcast %shift_left3A_478 : i32 to vector<16xi32>
        %shift_left3A_480 = arith.shli %xor3A_476, %shift_left3A_479 : vector<16xi32>
        %shift_right_logical3A_481 = arith.constant 17 : i32
        %shift_right_logical3A_482 = vector.broadcast %shift_right_logical3A_481 : i32 to vector<16xi32>
        %shift_right_logical3A_483 = arith.shrui %xor3A_476, %shift_right_logical3A_482 : vector<16xi32>
        %or3A_484 = arith.ori %shift_left3A_480, %shift_right_logical3A_483 : vector<16xi32>
        %xor3A_485 = arith.xori %add3A_477, %or3A_484 : vector<16xi32>
        %add3A_486 = arith.addi %add3A_477, %xor3A_485 : vector<16xi32>
        %shift_left3A_487 = arith.constant 26 : i32
        %shift_left3A_488 = vector.broadcast %shift_left3A_487 : i32 to vector<16xi32>
        %shift_left3A_489 = arith.shli %xor3A_485, %shift_left3A_488 : vector<16xi32>
        %shift_right_logical3A_490 = arith.constant 6 : i32
        %shift_right_logical3A_491 = vector.broadcast %shift_right_logical3A_490 : i32 to vector<16xi32>
        %shift_right_logical3A_492 = arith.shrui %xor3A_485, %shift_right_logical3A_491 : vector<16xi32>
        %or3A_493 = arith.ori %shift_left3A_489, %shift_right_logical3A_492 : vector<16xi32>
        %xor3A_494 = arith.xori %add3A_486, %or3A_493 : vector<16xi32>
        %add3A_495 = arith.addi %add3A_486, %xor3A_494 : vector<16xi32>
        %shift_left3A_496 = arith.constant 6 : i32
        %shift_left3A_497 = vector.broadcast %shift_left3A_496 : i32 to vector<16xi32>
        %shift_left3A_498 = arith.shli %xor3A_494, %shift_left3A_497 : vector<16xi32>
        %shift_right_logical3A_499 = arith.constant 26 : i32
        %shift_right_logical3A_500 = vector.broadcast %shift_right_logical3A_499 : i32 to vector<16xi32>
        %shift_right_logical3A_501 = arith.shrui %xor3A_494, %shift_right_logical3A_500 : vector<16xi32>
        %or3A_502 = arith.ori %shift_left3A_498, %shift_right_logical3A_501 : vector<16xi32>
        %xor3A_503 = arith.xori %add3A_495, %or3A_502 : vector<16xi32>
        %add3A_504 = vector.broadcast %xor3A_285 : i32 to vector<16xi32>
        %add3A_505 = arith.addi %add3A_495, %add3A_504 : vector<16xi32>
        %add3A_506 = arith.constant 0 : i32
        %add3A_507 = vector.broadcast %add3A_506 : i32 to vector<16xi32>
        %add3A_508 = arith.addi %xor3A_503, %add3A_507 : vector<16xi32>
        %add3A_509 = arith.constant 5 : i32
        %add3A_510 = vector.broadcast %add3A_509 : i32 to vector<16xi32>
        %add3A_511 = arith.addi %add3A_508, %add3A_510 : vector<16xi32>
        %xor3A_512 = arith.xori %add3A_505, %add3A_511 : vector<16xi32>
        %shift_right_logical3A_513 = arith.constant 9 : i32
        %shift_right_logical3A_514 = vector.broadcast %shift_right_logical3A_513 : i32 to vector<16xi32>
        %shift_right_logical3A_515 = arith.shrui %xor3A_512, %shift_right_logical3A_514 : vector<16xi32>
        %or3A_516 = arith.constant 1065353216 : i32
        %or3A_517 = vector.broadcast %or3A_516 : i32 to vector<16xi32>
        %or3A_518 = arith.ori %shift_right_logical3A_515, %or3A_517 : vector<16xi32>
        %bitcast_convert_type3A_519 = tpu.bitcast %or3A_518 : vector<16xi32> -> vector<16xf32>
        %sub3A_520 = arith.constant 1.000000e+00 : f32
        %sub3A_521 = vector.broadcast %sub3A_520 : f32 to vector<16xf32>
        %sub3A_522 = arith.subf %bitcast_convert_type3A_519, %sub3A_521 : vector<16xf32>
        %add3A_523 = arith.constant 1.17549435E-38 : f32
        %add3A_524 = vector.broadcast %add3A_523 : f32 to vector<16xf32>
        %add3A_525 = arith.addf %sub3A_522, %add3A_524 : vector<16xf32>
        %max3A_526 = arith.constant 1.17549435E-38 : f32
        %max3A_527 = vector.broadcast %max3A_526 : f32 to vector<16xf32>
        %max3A_528 = arith.maximumf %add3A_525, %max3A_527 : vector<16xf32>
        %mul3A_529 = arith.constant 16 : i32
        %mul3A_530 = arith.muli %scan3A_275, %mul3A_529 : i32
        %swap3A_531 = arith.index_cast %mul3A_530 : i32 to index
        %swap3A_532 = tpu.vector_load %arg3[%swap3A_531] {strides = array<i32>} : memref<6000xf32, #tpu.memory_space<vmem>>, vector<16xf32>,
        %swap3A_533 = vector.shape_cast %swap3A_532 : vector<16xf32> to vector<16xf32>
        %swap3A_534 = vector.shape_cast %max3A_528 : vector<16xf32> to vector<16xf32>
        tpu.vector_store %arg3[%swap3A_531], %swap3A_534 {strides = array<i32>} : memref<6000xf32, #tpu.memory_space<vmem>>, vector<16xf32>,
        %scan3A_535 = arith.constant 1 : i32
        %scan3A_536 = arith.addi %scan3A_275, %scan3A_535 : i32
        %mul3A_537 = arith.constant 16 : i32
        %mul3A_538 = arith.muli %scan3A_536, %mul3A_537 : i32
        %add3A_539 = arith.addi %add3A_13, %mul3A_538 : i32
        %add3A_540 = vector.broadcast %add3A_539 : i32 to vector<16xi32>
        %add3A_541 = arith.addi %add3A_540, %iota3A : vector<16xi32>
        %xor3A_542 = arith.constant 466688986 : i32
        %xor3A_543 = arith.constant 0 : i32
        %xor3A_544 = arith.xori %xor3A_542, %xor3A_543 : i32
        %xor3A_545 = arith.constant 1 : i32
        %xor3A_546 = arith.xori %xor3A_544, %xor3A_545 : i32
        %broadcast_in_dim3A_547 = arith.constant 0 : i32
        %broadcast_in_dim3A_548 = vector.broadcast %broadcast_in_dim3A_547 : i32 to vector<16xi32>
        %add3A_549 = arith.constant 1 : i32
        %add3A_550 = vector.broadcast %add3A_549 : i32 to vector<16xi32>
        %add3A_551 = arith.addi %add3A_541, %add3A_550 : vector<16xi32>
        %add3A_552 = arith.addi %broadcast_in_dim3A_548, %add3A_551 : vector<16xi32>
        %shift_left3A_553 = arith.constant 13 : i32
        %shift_left3A_554 = vector.broadcast %shift_left3A_553 : i32 to vector<16xi32>
        %shift_left3A_555 = arith.shli %add3A_551, %shift_left3A_554 : vector<16xi32>
        %shift_right_logical3A_556 = arith.constant 19 : i32
        %shift_right_logical3A_557 = vector.broadcast %shift_right_logical3A_556 : i32 to vector<16xi32>
        %shift_right_logical3A_558 = arith.shrui %add3A_551, %shift_right_logical3A_557 : vector<16xi32>
        %or3A_559 = arith.ori %shift_left3A_555, %shift_right_logical3A_558 : vector<16xi32>
        %xor3A_560 = arith.xori %add3A_552, %or3A_559 : vector<16xi32>
        %add3A_561 = arith.addi %add3A_552, %xor3A_560 : vector<16xi32>
        %shift_left3A_562 = arith.constant 15 : i32
        %shift_left3A_563 = vector.broadcast %shift_left3A_562 : i32 to vector<16xi32>
        %shift_left3A_564 = arith.shli %xor3A_560, %shift_left3A_563 : vector<16xi32>
        %shift_right_logical3A_565 = arith.constant 17 : i32
        %shift_right_logical3A_566 = vector.broadcast %shift_right_logical3A_565 : i32 to vector<16xi32>
        %shift_right_logical3A_567 = arith.shrui %xor3A_560, %shift_right_logical3A_566 : vector<16xi32>
        %or3A_568 = arith.ori %shift_left3A_564, %shift_right_logical3A_567 : vector<16xi32>
        %xor3A_569 = arith.xori %add3A_561, %or3A_568 : vector<16xi32>
        %add3A_570 = arith.addi %add3A_561, %xor3A_569 : vector<16xi32>
        %shift_left3A_571 = arith.constant 26 : i32
        %shift_left3A_572 = vector.broadcast %shift_left3A_571 : i32 to vector<16xi32>
        %shift_left3A_573 = arith.shli %xor3A_569, %shift_left3A_572 : vector<16xi32>
        %shift_right_logical3A_574 = arith.constant 6 : i32
        %shift_right_logical3A_575 = vector.broadcast %shift_right_logical3A_574 : i32 to vector<16xi32>
        %shift_right_logical3A_576 = arith.shrui %xor3A_569, %shift_right_logical3A_575 : vector<16xi32>
        %or3A_577 = arith.ori %shift_left3A_573, %shift_right_logical3A_576 : vector<16xi32>
        %xor3A_578 = arith.xori %add3A_570, %or3A_577 : vector<16xi32>
        %add3A_579 = arith.addi %add3A_570, %xor3A_578 : vector<16xi32>
        %shift_left3A_580 = arith.constant 6 : i32
        %shift_left3A_581 = vector.broadcast %shift_left3A_580 : i32 to vector<16xi32>
        %shift_left3A_582 = arith.shli %xor3A_578, %shift_left3A_581 : vector<16xi32>
        %shift_right_logical3A_583 = arith.constant 26 : i32
        %shift_right_logical3A_584 = vector.broadcast %shift_right_logical3A_583 : i32 to vector<16xi32>
        %shift_right_logical3A_585 = arith.shrui %xor3A_578, %shift_right_logical3A_584 : vector<16xi32>
        %or3A_586 = arith.ori %shift_left3A_582, %shift_right_logical3A_585 : vector<16xi32>
        %xor3A_587 = arith.xori %add3A_579, %or3A_586 : vector<16xi32>
        %add3A_588 = arith.constant 1 : i32
        %add3A_589 = vector.broadcast %add3A_588 : i32 to vector<16xi32>
        %add3A_590 = arith.addi %add3A_579, %add3A_589 : vector<16xi32>
        %add3A_591 = vector.broadcast %xor3A_546 : i32 to vector<16xi32>
        %add3A_592 = arith.addi %xor3A_587, %add3A_591 : vector<16xi32>
        %add3A_593 = arith.constant 1 : i32
        %add3A_594 = vector.broadcast %add3A_593 : i32 to vector<16xi32>
        %add3A_595 = arith.addi %add3A_592, %add3A_594 : vector<16xi32>
        %add3A_596 = arith.addi %add3A_590, %add3A_595 : vector<16xi32>
        %shift_left3A_597 = arith.constant 17 : i32
        %shift_left3A_598 = vector.broadcast %shift_left3A_597 : i32 to vector<16xi32>
        %shift_left3A_599 = arith.shli %add3A_595, %shift_left3A_598 : vector<16xi32>
        %shift_right_logical3A_600 = arith.constant 15 : i32
        %shift_right_logical3A_601 = vector.broadcast %shift_right_logical3A_600 : i32 to vector<16xi32>
        %shift_right_logical3A_602 = arith.shrui %add3A_595, %shift_right_logical3A_601 : vector<16xi32>
        %or3A_603 = arith.ori %shift_left3A_599, %shift_right_logical3A_602 : vector<16xi32>
        %xor3A_604 = arith.xori %add3A_596, %or3A_603 : vector<16xi32>
        %add3A_605 = arith.addi %add3A_596, %xor3A_604 : vector<16xi32>
        %shift_left3A_606 = arith.constant 29 : i32
        %shift_left3A_607 = vector.broadcast %shift_left3A_606 : i32 to vector<16xi32>
        %shift_left3A_608 = arith.shli %xor3A_604, %shift_left3A_607 : vector<16xi32>
        %shift_right_logical3A_609 = arith.constant 3 : i32
        %shift_right_logical3A_610 = vector.broadcast %shift_right_logical3A_609 : i32 to vector<16xi32>
        %shift_right_logical3A_611 = arith.shrui %xor3A_604, %shift_right_logical3A_610 : vector<16xi32>
        %or3A_612 = arith.ori %shift_left3A_608, %shift_right_logical3A_611 : vector<16xi32>
        %xor3A_613 = arith.xori %add3A_605, %or3A_612 : vector<16xi32>
        %add3A_614 = arith.addi %add3A_605, %xor3A_613 : vector<16xi32>
        %shift_left3A_615 = arith.constant 16 : i32
        %shift_left3A_616 = vector.broadcast %shift_left3A_615 : i32 to vector<16xi32>
        %shift_left3A_617 = arith.shli %xor3A_613, %shift_left3A_616 : vector<16xi32>
        %shift_right_logical3A_618 = arith.constant 16 : i32
        %shift_right_logical3A_619 = vector.broadcast %shift_right_logical3A_618 : i32 to vector<16xi32>
        %shift_right_logical3A_620 = arith.shrui %xor3A_613, %shift_right_logical3A_619 : vector<16xi32>
        %or3A_621 = arith.ori %shift_left3A_617, %shift_right_logical3A_620 : vector<16xi32>
        %xor3A_622 = arith.xori %add3A_614, %or3A_621 : vector<16xi32>
        %add3A_623 = arith.addi %add3A_614, %xor3A_622 : vector<16xi32>
        %shift_left3A_624 = arith.constant 24 : i32
        %shift_left3A_625 = vector.broadcast %shift_left3A_624 : i32 to vector<16xi32>
        %shift_left3A_626 = arith.shli %xor3A_622, %shift_left3A_625 : vector<16xi32>
        %shift_right_logical3A_627 = arith.constant 8 : i32
        %shift_right_logical3A_628 = vector.broadcast %shift_right_logical3A_627 : i32 to vector<16xi32>
        %shift_right_logical3A_629 = arith.shrui %xor3A_622, %shift_right_logical3A_628 : vector<16xi32>
        %or3A_630 = arith.ori %shift_left3A_626, %shift_right_logical3A_629 : vector<16xi32>
        %xor3A_631 = arith.xori %add3A_623, %or3A_630 : vector<16xi32>
        %add3A_632 = vector.broadcast %xor3A_546 : i32 to vector<16xi32>
        %add3A_633 = arith.addi %add3A_623, %add3A_632 : vector<16xi32>
        %add3A_634 = arith.constant 0 : i32
        %add3A_635 = vector.broadcast %add3A_634 : i32 to vector<16xi32>
        %add3A_636 = arith.addi %xor3A_631, %add3A_635 : vector<16xi32>
        %add3A_637 = arith.constant 2 : i32
        %add3A_638 = vector.broadcast %add3A_637 : i32 to vector<16xi32>
        %add3A_639 = arith.addi %add3A_636, %add3A_638 : vector<16xi32>
        %add3A_640 = arith.addi %add3A_633, %add3A_639 : vector<16xi32>
        %shift_left3A_641 = arith.constant 13 : i32
        %shift_left3A_642 = vector.broadcast %shift_left3A_641 : i32 to vector<16xi32>
        %shift_left3A_643 = arith.shli %add3A_639, %shift_left3A_642 : vector<16xi32>
        %shift_right_logical3A_644 = arith.constant 19 : i32
        %shift_right_logical3A_645 = vector.broadcast %shift_right_logical3A_644 : i32 to vector<16xi32>
        %shift_right_logical3A_646 = arith.shrui %add3A_639, %shift_right_logical3A_645 : vector<16xi32>
        %or3A_647 = arith.ori %shift_left3A_643, %shift_right_logical3A_646 : vector<16xi32>
        %xor3A_648 = arith.xori %add3A_640, %or3A_647 : vector<16xi32>
        %add3A_649 = arith.addi %add3A_640, %xor3A_648 : vector<16xi32>
        %shift_left3A_650 = arith.constant 15 : i32
        %shift_left3A_651 = vector.broadcast %shift_left3A_650 : i32 to vector<16xi32>
        %shift_left3A_652 = arith.shli %xor3A_648, %shift_left3A_651 : vector<16xi32>
        %shift_right_logical3A_653 = arith.constant 17 : i32
        %shift_right_logical3A_654 = vector.broadcast %shift_right_logical3A_653 : i32 to vector<16xi32>
        %shift_right_logical3A_655 = arith.shrui %xor3A_648, %shift_right_logical3A_654 : vector<16xi32>
        %or3A_656 = arith.ori %shift_left3A_652, %shift_right_logical3A_655 : vector<16xi32>
        %xor3A_657 = arith.xori %add3A_649, %or3A_656 : vector<16xi32>
        %add3A_658 = arith.addi %add3A_649, %xor3A_657 : vector<16xi32>
        %shift_left3A_659 = arith.constant 26 : i32
        %shift_left3A_660 = vector.broadcast %shift_left3A_659 : i32 to vector<16xi32>
        %shift_left3A_661 = arith.shli %xor3A_657, %shift_left3A_660 : vector<16xi32>
        %shift_right_logical3A_662 = arith.constant 6 : i32
        %shift_right_logical3A_663 = vector.broadcast %shift_right_logical3A_662 : i32 to vector<16xi32>
        %shift_right_logical3A_664 = arith.shrui %xor3A_657, %shift_right_logical3A_663 : vector<16xi32>
        %or3A_665 = arith.ori %shift_left3A_661, %shift_right_logical3A_664 : vector<16xi32>
        %xor3A_666 = arith.xori %add3A_658, %or3A_665 : vector<16xi32>
        %add3A_667 = arith.addi %add3A_658, %xor3A_666 : vector<16xi32>
        %shift_left3A_668 = arith.constant 6 : i32
        %shift_left3A_669 = vector.broadcast %shift_left3A_668 : i32 to vector<16xi32>
        %shift_left3A_670 = arith.shli %xor3A_666, %shift_left3A_669 : vector<16xi32>
        %shift_right_logical3A_671 = arith.constant 26 : i32
        %shift_right_logical3A_672 = vector.broadcast %shift_right_logical3A_671 : i32 to vector<16xi32>
        %shift_right_logical3A_673 = arith.shrui %xor3A_666, %shift_right_logical3A_672 : vector<16xi32>
        %or3A_674 = arith.ori %shift_left3A_670, %shift_right_logical3A_673 : vector<16xi32>
        %xor3A_675 = arith.xori %add3A_667, %or3A_674 : vector<16xi32>
        %add3A_676 = arith.constant 0 : i32
        %add3A_677 = vector.broadcast %add3A_676 : i32 to vector<16xi32>
        %add3A_678 = arith.addi %add3A_667, %add3A_677 : vector<16xi32>
        %add3A_679 = arith.constant 1 : i32
        %add3A_680 = vector.broadcast %add3A_679 : i32 to vector<16xi32>
        %add3A_681 = arith.addi %xor3A_675, %add3A_680 : vector<16xi32>
        %add3A_682 = arith.constant 3 : i32
        %add3A_683 = vector.broadcast %add3A_682 : i32 to vector<16xi32>
        %add3A_684 = arith.addi %add3A_681, %add3A_683 : vector<16xi32>
        %add3A_685 = arith.addi %add3A_678, %add3A_684 : vector<16xi32>
        %shift_left3A_686 = arith.constant 17 : i32
        %shift_left3A_687 = vector.broadcast %shift_left3A_686 : i32 to vector<16xi32>
        %shift_left3A_688 = arith.shli %add3A_684, %shift_left3A_687 : vector<16xi32>
        %shift_right_logical3A_689 = arith.constant 15 : i32
        %shift_right_logical3A_690 = vector.broadcast %shift_right_logical3A_689 : i32 to vector<16xi32>
        %shift_right_logical3A_691 = arith.shrui %add3A_684, %shift_right_logical3A_690 : vector<16xi32>
        %or3A_692 = arith.ori %shift_left3A_688, %shift_right_logical3A_691 : vector<16xi32>
        %xor3A_693 = arith.xori %add3A_685, %or3A_692 : vector<16xi32>
        %add3A_694 = arith.addi %add3A_685, %xor3A_693 : vector<16xi32>
        %shift_left3A_695 = arith.constant 29 : i32
        %shift_left3A_696 = vector.broadcast %shift_left3A_695 : i32 to vector<16xi32>
        %shift_left3A_697 = arith.shli %xor3A_693, %shift_left3A_696 : vector<16xi32>
        %shift_right_logical3A_698 = arith.constant 3 : i32
        %shift_right_logical3A_699 = vector.broadcast %shift_right_logical3A_698 : i32 to vector<16xi32>
        %shift_right_logical3A_700 = arith.shrui %xor3A_693, %shift_right_logical3A_699 : vector<16xi32>
        %or3A_701 = arith.ori %shift_left3A_697, %shift_right_logical3A_700 : vector<16xi32>
        %xor3A_702 = arith.xori %add3A_694, %or3A_701 : vector<16xi32>
        %add3A_703 = arith.addi %add3A_694, %xor3A_702 : vector<16xi32>
        %shift_left3A_704 = arith.constant 16 : i32
        %shift_left3A_705 = vector.broadcast %shift_left3A_704 : i32 to vector<16xi32>
        %shift_left3A_706 = arith.shli %xor3A_702, %shift_left3A_705 : vector<16xi32>
        %shift_right_logical3A_707 = arith.constant 16 : i32
        %shift_right_logical3A_708 = vector.broadcast %shift_right_logical3A_707 : i32 to vector<16xi32>
        %shift_right_logical3A_709 = arith.shrui %xor3A_702, %shift_right_logical3A_708 : vector<16xi32>
        %or3A_710 = arith.ori %shift_left3A_706, %shift_right_logical3A_709 : vector<16xi32>
        %xor3A_711 = arith.xori %add3A_703, %or3A_710 : vector<16xi32>
        %add3A_712 = arith.addi %add3A_703, %xor3A_711 : vector<16xi32>
        %shift_left3A_713 = arith.constant 24 : i32
        %shift_left3A_714 = vector.broadcast %shift_left3A_713 : i32 to vector<16xi32>
        %shift_left3A_715 = arith.shli %xor3A_711, %shift_left3A_714 : vector<16xi32>
        %shift_right_logical3A_716 = arith.constant 8 : i32
        %shift_right_logical3A_717 = vector.broadcast %shift_right_logical3A_716 : i32 to vector<16xi32>
        %shift_right_logical3A_718 = arith.shrui %xor3A_711, %shift_right_logical3A_717 : vector<16xi32>
        %or3A_719 = arith.ori %shift_left3A_715, %shift_right_logical3A_718 : vector<16xi32>
        %xor3A_720 = arith.xori %add3A_712, %or3A_719 : vector<16xi32>
        %add3A_721 = arith.constant 1 : i32
        %add3A_722 = vector.broadcast %add3A_721 : i32 to vector<16xi32>
        %add3A_723 = arith.addi %add3A_712, %add3A_722 : vector<16xi32>
        %add3A_724 = vector.broadcast %xor3A_546 : i32 to vector<16xi32>
        %add3A_725 = arith.addi %xor3A_720, %add3A_724 : vector<16xi32>
        %add3A_726 = arith.constant 4 : i32
        %add3A_727 = vector.broadcast %add3A_726 : i32 to vector<16xi32>
        %add3A_728 = arith.addi %add3A_725, %add3A_727 : vector<16xi32>
        %add3A_729 = arith.addi %add3A_723, %add3A_728 : vector<16xi32>
        %shift_left3A_730 = arith.constant 13 : i32
        %shift_left3A_731 = vector.broadcast %shift_left3A_730 : i32 to vector<16xi32>
        %shift_left3A_732 = arith.shli %add3A_728, %shift_left3A_731 : vector<16xi32>
        %shift_right_logical3A_733 = arith.constant 19 : i32
        %shift_right_logical3A_734 = vector.broadcast %shift_right_logical3A_733 : i32 to vector<16xi32>
        %shift_right_logical3A_735 = arith.shrui %add3A_728, %shift_right_logical3A_734 : vector<16xi32>
        %or3A_736 = arith.ori %shift_left3A_732, %shift_right_logical3A_735 : vector<16xi32>
        %xor3A_737 = arith.xori %add3A_729, %or3A_736 : vector<16xi32>
        %add3A_738 = arith.addi %add3A_729, %xor3A_737 : vector<16xi32>
        %shift_left3A_739 = arith.constant 15 : i32
        %shift_left3A_740 = vector.broadcast %shift_left3A_739 : i32 to vector<16xi32>
        %shift_left3A_741 = arith.shli %xor3A_737, %shift_left3A_740 : vector<16xi32>
        %shift_right_logical3A_742 = arith.constant 17 : i32
        %shift_right_logical3A_743 = vector.broadcast %shift_right_logical3A_742 : i32 to vector<16xi32>
        %shift_right_logical3A_744 = arith.shrui %xor3A_737, %shift_right_logical3A_743 : vector<16xi32>
        %or3A_745 = arith.ori %shift_left3A_741, %shift_right_logical3A_744 : vector<16xi32>
        %xor3A_746 = arith.xori %add3A_738, %or3A_745 : vector<16xi32>
        %add3A_747 = arith.addi %add3A_738, %xor3A_746 : vector<16xi32>
        %shift_left3A_748 = arith.constant 26 : i32
        %shift_left3A_749 = vector.broadcast %shift_left3A_748 : i32 to vector<16xi32>
        %shift_left3A_750 = arith.shli %xor3A_746, %shift_left3A_749 : vector<16xi32>
        %shift_right_logical3A_751 = arith.constant 6 : i32
        %shift_right_logical3A_752 = vector.broadcast %shift_right_logical3A_751 : i32 to vector<16xi32>
        %shift_right_logical3A_753 = arith.shrui %xor3A_746, %shift_right_logical3A_752 : vector<16xi32>
        %or3A_754 = arith.ori %shift_left3A_750, %shift_right_logical3A_753 : vector<16xi32>
        %xor3A_755 = arith.xori %add3A_747, %or3A_754 : vector<16xi32>
        %add3A_756 = arith.addi %add3A_747, %xor3A_755 : vector<16xi32>
        %shift_left3A_757 = arith.constant 6 : i32
        %shift_left3A_758 = vector.broadcast %shift_left3A_757 : i32 to vector<16xi32>
        %shift_left3A_759 = arith.shli %xor3A_755, %shift_left3A_758 : vector<16xi32>
        %shift_right_logical3A_760 = arith.constant 26 : i32
        %shift_right_logical3A_761 = vector.broadcast %shift_right_logical3A_760 : i32 to vector<16xi32>
        %shift_right_logical3A_762 = arith.shrui %xor3A_755, %shift_right_logical3A_761 : vector<16xi32>
        %or3A_763 = arith.ori %shift_left3A_759, %shift_right_logical3A_762 : vector<16xi32>
        %xor3A_764 = arith.xori %add3A_756, %or3A_763 : vector<16xi32>
        %add3A_765 = vector.broadcast %xor3A_546 : i32 to vector<16xi32>
        %add3A_766 = arith.addi %add3A_756, %add3A_765 : vector<16xi32>
        %add3A_767 = arith.constant 0 : i32
        %add3A_768 = vector.broadcast %add3A_767 : i32 to vector<16xi32>
        %add3A_769 = arith.addi %xor3A_764, %add3A_768 : vector<16xi32>
        %add3A_770 = arith.constant 5 : i32
        %add3A_771 = vector.broadcast %add3A_770 : i32 to vector<16xi32>
        %add3A_772 = arith.addi %add3A_769, %add3A_771 : vector<16xi32>
        %xor3A_773 = arith.xori %add3A_766, %add3A_772 : vector<16xi32>
        %shift_right_logical3A_774 = arith.constant 9 : i32
        %shift_right_logical3A_775 = vector.broadcast %shift_right_logical3A_774 : i32 to vector<16xi32>
        %shift_right_logical3A_776 = arith.shrui %xor3A_773, %shift_right_logical3A_775 : vector<16xi32>
        %or3A_777 = arith.constant 1065353216 : i32
        %or3A_778 = vector.broadcast %or3A_777 : i32 to vector<16xi32>
        %or3A_779 = arith.ori %shift_right_logical3A_776, %or3A_778 : vector<16xi32>
        %bitcast_convert_type3A_780 = tpu.bitcast %or3A_779 : vector<16xi32> -> vector<16xf32>
        %sub3A_781 = arith.constant 1.000000e+00 : f32
        %sub3A_782 = vector.broadcast %sub3A_781 : f32 to vector<16xf32>
        %sub3A_783 = arith.subf %bitcast_convert_type3A_780, %sub3A_782 : vector<16xf32>
        %add3A_784 = arith.constant 1.17549435E-38 : f32
        %add3A_785 = vector.broadcast %add3A_784 : f32 to vector<16xf32>
        %add3A_786 = arith.addf %sub3A_783, %add3A_785 : vector<16xf32>
        %max3A_787 = arith.constant 1.17549435E-38 : f32
        %max3A_788 = vector.broadcast %max3A_787 : f32 to vector<16xf32>
        %max3A_789 = arith.maximumf %add3A_786, %max3A_788 : vector<16xf32>
        %mul3A_790 = arith.constant 16 : i32
        %mul3A_791 = arith.muli %scan3A_536, %mul3A_790 : i32
        %swap3A_792 = arith.index_cast %mul3A_791 : i32 to index
        %swap3A_793 = tpu.vector_load %arg3[%swap3A_792] {strides = array<i32>} : memref<6000xf32, #tpu.memory_space<vmem>>, vector<16xf32>,
        %swap3A_794 = vector.shape_cast %swap3A_793 : vector<16xf32> to vector<16xf32>
        %swap3A_795 = vector.shape_cast %max3A_789 : vector<16xf32> to vector<16xf32>
        tpu.vector_store %arg3[%swap3A_792], %swap3A_795 {strides = array<i32>} : memref<6000xf32, #tpu.memory_space<vmem>>, vector<16xf32>,
      }
      %scan3A_19 = arith.constant 374 : i32
      %scan3A_20 = arith.addi %scan3A_15, %scan3A_19 : i32
      %mul3A_21 = arith.constant 16 : i32
      %mul3A_22 = arith.muli %scan3A_20, %mul3A_21 : i32
      %add3A_23 = arith.addi %add3A_13, %mul3A_22 : i32
      %add3A_24 = vector.broadcast %add3A_23 : i32 to vector<16xi32>
      %add3A_25 = arith.addi %add3A_24, %iota3A : vector<16xi32>
      %xor3A = arith.constant 466688986 : i32
      %xor3A_26 = arith.constant 0 : i32
      %xor3A_27 = arith.xori %xor3A, %xor3A_26 : i32
      %xor3A_28 = arith.constant 1 : i32
      %xor3A_29 = arith.xori %xor3A_27, %xor3A_28 : i32
      %broadcast_in_dim3A = arith.constant 0 : i32
      %broadcast_in_dim3A_30 = vector.broadcast %broadcast_in_dim3A : i32 to vector<16xi32>
      %add3A_31 = arith.constant 1 : i32
      %add3A_32 = vector.broadcast %add3A_31 : i32 to vector<16xi32>
      %add3A_33 = arith.addi %add3A_25, %add3A_32 : vector<16xi32>
      %add3A_34 = arith.addi %broadcast_in_dim3A_30, %add3A_33 : vector<16xi32>
      %shift_left3A = arith.constant 13 : i32
      %shift_left3A_35 = vector.broadcast %shift_left3A : i32 to vector<16xi32>
      %shift_left3A_36 = arith.shli %add3A_33, %shift_left3A_35 : vector<16xi32>
      %shift_right_logical3A = arith.constant 19 : i32
      %shift_right_logical3A_37 = vector.broadcast %shift_right_logical3A : i32 to vector<16xi32>
      %shift_right_logical3A_38 = arith.shrui %add3A_33, %shift_right_logical3A_37 : vector<16xi32>
      %or3A = arith.ori %shift_left3A_36, %shift_right_logical3A_38 : vector<16xi32>
      %xor3A_39 = arith.xori %add3A_34, %or3A : vector<16xi32>
      %add3A_40 = arith.addi %add3A_34, %xor3A_39 : vector<16xi32>
      %shift_left3A_41 = arith.constant 15 : i32
      %shift_left3A_42 = vector.broadcast %shift_left3A_41 : i32 to vector<16xi32>
      %shift_left3A_43 = arith.shli %xor3A_39, %shift_left3A_42 : vector<16xi32>
      %shift_right_logical3A_44 = arith.constant 17 : i32
      %shift_right_logical3A_45 = vector.broadcast %shift_right_logical3A_44 : i32 to vector<16xi32>
      %shift_right_logical3A_46 = arith.shrui %xor3A_39, %shift_right_logical3A_45 : vector<16xi32>
      %or3A_47 = arith.ori %shift_left3A_43, %shift_right_logical3A_46 : vector<16xi32>
      %xor3A_48 = arith.xori %add3A_40, %or3A_47 : vector<16xi32>
      %add3A_49 = arith.addi %add3A_40, %xor3A_48 : vector<16xi32>
      %shift_left3A_50 = arith.constant 26 : i32
      %shift_left3A_51 = vector.broadcast %shift_left3A_50 : i32 to vector<16xi32>
      %shift_left3A_52 = arith.shli %xor3A_48, %shift_left3A_51 : vector<16xi32>
      %shift_right_logical3A_53 = arith.constant 6 : i32
      %shift_right_logical3A_54 = vector.broadcast %shift_right_logical3A_53 : i32 to vector<16xi32>
      %shift_right_logical3A_55 = arith.shrui %xor3A_48, %shift_right_logical3A_54 : vector<16xi32>
      %or3A_56 = arith.ori %shift_left3A_52, %shift_right_logical3A_55 : vector<16xi32>
      %xor3A_57 = arith.xori %add3A_49, %or3A_56 : vector<16xi32>
      %add3A_58 = arith.addi %add3A_49, %xor3A_57 : vector<16xi32>
      %shift_left3A_59 = arith.constant 6 : i32
      %shift_left3A_60 = vector.broadcast %shift_left3A_59 : i32 to vector<16xi32>
      %shift_left3A_61 = arith.shli %xor3A_57, %shift_left3A_60 : vector<16xi32>
      %shift_right_logical3A_62 = arith.constant 26 : i32
      %shift_right_logical3A_63 = vector.broadcast %shift_right_logical3A_62 : i32 to vector<16xi32>
      %shift_right_logical3A_64 = arith.shrui %xor3A_57, %shift_right_logical3A_63 : vector<16xi32>
      %or3A_65 = arith.ori %shift_left3A_61, %shift_right_logical3A_64 : vector<16xi32>
      %xor3A_66 = arith.xori %add3A_58, %or3A_65 : vector<16xi32>
      %add3A_67 = arith.constant 1 : i32
      %add3A_68 = vector.broadcast %add3A_67 : i32 to vector<16xi32>
      %add3A_69 = arith.addi %add3A_58, %add3A_68 : vector<16xi32>
      %add3A_70 = vector.broadcast %xor3A_29 : i32 to vector<16xi32>
      %add3A_71 = arith.addi %xor3A_66, %add3A_70 : vector<16xi32>
      %add3A_72 = arith.constant 1 : i32
      %add3A_73 = vector.broadcast %add3A_72 : i32 to vector<16xi32>
      %add3A_74 = arith.addi %add3A_71, %add3A_73 : vector<16xi32>
      %add3A_75 = arith.addi %add3A_69, %add3A_74 : vector<16xi32>
      %shift_left3A_76 = arith.constant 17 : i32
      %shift_left3A_77 = vector.broadcast %shift_left3A_76 : i32 to vector<16xi32>
      %shift_left3A_78 = arith.shli %add3A_74, %shift_left3A_77 : vector<16xi32>
      %shift_right_logical3A_79 = arith.constant 15 : i32
      %shift_right_logical3A_80 = vector.broadcast %shift_right_logical3A_79 : i32 to vector<16xi32>
      %shift_right_logical3A_81 = arith.shrui %add3A_74, %shift_right_logical3A_80 : vector<16xi32>
      %or3A_82 = arith.ori %shift_left3A_78, %shift_right_logical3A_81 : vector<16xi32>
      %xor3A_83 = arith.xori %add3A_75, %or3A_82 : vector<16xi32>
      %add3A_84 = arith.addi %add3A_75, %xor3A_83 : vector<16xi32>
      %shift_left3A_85 = arith.constant 29 : i32
      %shift_left3A_86 = vector.broadcast %shift_left3A_85 : i32 to vector<16xi32>
      %shift_left3A_87 = arith.shli %xor3A_83, %shift_left3A_86 : vector<16xi32>
      %shift_right_logical3A_88 = arith.constant 3 : i32
      %shift_right_logical3A_89 = vector.broadcast %shift_right_logical3A_88 : i32 to vector<16xi32>
      %shift_right_logical3A_90 = arith.shrui %xor3A_83, %shift_right_logical3A_89 : vector<16xi32>
      %or3A_91 = arith.ori %shift_left3A_87, %shift_right_logical3A_90 : vector<16xi32>
      %xor3A_92 = arith.xori %add3A_84, %or3A_91 : vector<16xi32>
      %add3A_93 = arith.addi %add3A_84, %xor3A_92 : vector<16xi32>
      %shift_left3A_94 = arith.constant 16 : i32
      %shift_left3A_95 = vector.broadcast %shift_left3A_94 : i32 to vector<16xi32>
      %shift_left3A_96 = arith.shli %xor3A_92, %shift_left3A_95 : vector<16xi32>
      %shift_right_logical3A_97 = arith.constant 16 : i32
      %shift_right_logical3A_98 = vector.broadcast %shift_right_logical3A_97 : i32 to vector<16xi32>
      %shift_right_logical3A_99 = arith.shrui %xor3A_92, %shift_right_logical3A_98 : vector<16xi32>
      %or3A_100 = arith.ori %shift_left3A_96, %shift_right_logical3A_99 : vector<16xi32>
      %xor3A_101 = arith.xori %add3A_93, %or3A_100 : vector<16xi32>
      %add3A_102 = arith.addi %add3A_93, %xor3A_101 : vector<16xi32>
      %shift_left3A_103 = arith.constant 24 : i32
      %shift_left3A_104 = vector.broadcast %shift_left3A_103 : i32 to vector<16xi32>
      %shift_left3A_105 = arith.shli %xor3A_101, %shift_left3A_104 : vector<16xi32>
      %shift_right_logical3A_106 = arith.constant 8 : i32
      %shift_right_logical3A_107 = vector.broadcast %shift_right_logical3A_106 : i32 to vector<16xi32>
      %shift_right_logical3A_108 = arith.shrui %xor3A_101, %shift_right_logical3A_107 : vector<16xi32>
      %or3A_109 = arith.ori %shift_left3A_105, %shift_right_logical3A_108 : vector<16xi32>
      %xor3A_110 = arith.xori %add3A_102, %or3A_109 : vector<16xi32>
      %add3A_111 = vector.broadcast %xor3A_29 : i32 to vector<16xi32>
      %add3A_112 = arith.addi %add3A_102, %add3A_111 : vector<16xi32>
      %add3A_113 = arith.constant 0 : i32
      %add3A_114 = vector.broadcast %add3A_113 : i32 to vector<16xi32>
      %add3A_115 = arith.addi %xor3A_110, %add3A_114 : vector<16xi32>
      %add3A_116 = arith.constant 2 : i32
      %add3A_117 = vector.broadcast %add3A_116 : i32 to vector<16xi32>
      %add3A_118 = arith.addi %add3A_115, %add3A_117 : vector<16xi32>
      %add3A_119 = arith.addi %add3A_112, %add3A_118 : vector<16xi32>
      %shift_left3A_120 = arith.constant 13 : i32
      %shift_left3A_121 = vector.broadcast %shift_left3A_120 : i32 to vector<16xi32>
      %shift_left3A_122 = arith.shli %add3A_118, %shift_left3A_121 : vector<16xi32>
      %shift_right_logical3A_123 = arith.constant 19 : i32
      %shift_right_logical3A_124 = vector.broadcast %shift_right_logical3A_123 : i32 to vector<16xi32>
      %shift_right_logical3A_125 = arith.shrui %add3A_118, %shift_right_logical3A_124 : vector<16xi32>
      %or3A_126 = arith.ori %shift_left3A_122, %shift_right_logical3A_125 : vector<16xi32>
      %xor3A_127 = arith.xori %add3A_119, %or3A_126 : vector<16xi32>
      %add3A_128 = arith.addi %add3A_119, %xor3A_127 : vector<16xi32>
      %shift_left3A_129 = arith.constant 15 : i32
      %shift_left3A_130 = vector.broadcast %shift_left3A_129 : i32 to vector<16xi32>
      %shift_left3A_131 = arith.shli %xor3A_127, %shift_left3A_130 : vector<16xi32>
      %shift_right_logical3A_132 = arith.constant 17 : i32
      %shift_right_logical3A_133 = vector.broadcast %shift_right_logical3A_132 : i32 to vector<16xi32>
      %shift_right_logical3A_134 = arith.shrui %xor3A_127, %shift_right_logical3A_133 : vector<16xi32>
      %or3A_135 = arith.ori %shift_left3A_131, %shift_right_logical3A_134 : vector<16xi32>
      %xor3A_136 = arith.xori %add3A_128, %or3A_135 : vector<16xi32>
      %add3A_137 = arith.addi %add3A_128, %xor3A_136 : vector<16xi32>
      %shift_left3A_138 = arith.constant 26 : i32
      %shift_left3A_139 = vector.broadcast %shift_left3A_138 : i32 to vector<16xi32>
      %shift_left3A_140 = arith.shli %xor3A_136, %shift_left3A_139 : vector<16xi32>
      %shift_right_logical3A_141 = arith.constant 6 : i32
      %shift_right_logical3A_142 = vector.broadcast %shift_right_logical3A_141 : i32 to vector<16xi32>
      %shift_right_logical3A_143 = arith.shrui %xor3A_136, %shift_right_logical3A_142 : vector<16xi32>
      %or3A_144 = arith.ori %shift_left3A_140, %shift_right_logical3A_143 : vector<16xi32>
      %xor3A_145 = arith.xori %add3A_137, %or3A_144 : vector<16xi32>
      %add3A_146 = arith.addi %add3A_137, %xor3A_145 : vector<16xi32>
      %shift_left3A_147 = arith.constant 6 : i32
      %shift_left3A_148 = vector.broadcast %shift_left3A_147 : i32 to vector<16xi32>
      %shift_left3A_149 = arith.shli %xor3A_145, %shift_left3A_148 : vector<16xi32>
      %shift_right_logical3A_150 = arith.constant 26 : i32
      %shift_right_logical3A_151 = vector.broadcast %shift_right_logical3A_150 : i32 to vector<16xi32>
      %shift_right_logical3A_152 = arith.shrui %xor3A_145, %shift_right_logical3A_151 : vector<16xi32>
      %or3A_153 = arith.ori %shift_left3A_149, %shift_right_logical3A_152 : vector<16xi32>
      %xor3A_154 = arith.xori %add3A_146, %or3A_153 : vector<16xi32>
      %add3A_155 = arith.constant 0 : i32
      %add3A_156 = vector.broadcast %add3A_155 : i32 to vector<16xi32>
      %add3A_157 = arith.addi %add3A_146, %add3A_156 : vector<16xi32>
      %add3A_158 = arith.constant 1 : i32
      %add3A_159 = vector.broadcast %add3A_158 : i32 to vector<16xi32>
      %add3A_160 = arith.addi %xor3A_154, %add3A_159 : vector<16xi32>
      %add3A_161 = arith.constant 3 : i32
      %add3A_162 = vector.broadcast %add3A_161 : i32 to vector<16xi32>
      %add3A_163 = arith.addi %add3A_160, %add3A_162 : vector<16xi32>
      %add3A_164 = arith.addi %add3A_157, %add3A_163 : vector<16xi32>
      %shift_left3A_165 = arith.constant 17 : i32
      %shift_left3A_166 = vector.broadcast %shift_left3A_165 : i32 to vector<16xi32>
      %shift_left3A_167 = arith.shli %add3A_163, %shift_left3A_166 : vector<16xi32>
      %shift_right_logical3A_168 = arith.constant 15 : i32
      %shift_right_logical3A_169 = vector.broadcast %shift_right_logical3A_168 : i32 to vector<16xi32>
      %shift_right_logical3A_170 = arith.shrui %add3A_163, %shift_right_logical3A_169 : vector<16xi32>
      %or3A_171 = arith.ori %shift_left3A_167, %shift_right_logical3A_170 : vector<16xi32>
      %xor3A_172 = arith.xori %add3A_164, %or3A_171 : vector<16xi32>
      %add3A_173 = arith.addi %add3A_164, %xor3A_172 : vector<16xi32>
      %shift_left3A_174 = arith.constant 29 : i32
      %shift_left3A_175 = vector.broadcast %shift_left3A_174 : i32 to vector<16xi32>
      %shift_left3A_176 = arith.shli %xor3A_172, %shift_left3A_175 : vector<16xi32>
      %shift_right_logical3A_177 = arith.constant 3 : i32
      %shift_right_logical3A_178 = vector.broadcast %shift_right_logical3A_177 : i32 to vector<16xi32>
      %shift_right_logical3A_179 = arith.shrui %xor3A_172, %shift_right_logical3A_178 : vector<16xi32>
      %or3A_180 = arith.ori %shift_left3A_176, %shift_right_logical3A_179 : vector<16xi32>
      %xor3A_181 = arith.xori %add3A_173, %or3A_180 : vector<16xi32>
      %add3A_182 = arith.addi %add3A_173, %xor3A_181 : vector<16xi32>
      %shift_left3A_183 = arith.constant 16 : i32
      %shift_left3A_184 = vector.broadcast %shift_left3A_183 : i32 to vector<16xi32>
      %shift_left3A_185 = arith.shli %xor3A_181, %shift_left3A_184 : vector<16xi32>
      %shift_right_logical3A_186 = arith.constant 16 : i32
      %shift_right_logical3A_187 = vector.broadcast %shift_right_logical3A_186 : i32 to vector<16xi32>
      %shift_right_logical3A_188 = arith.shrui %xor3A_181, %shift_right_logical3A_187 : vector<16xi32>
      %or3A_189 = arith.ori %shift_left3A_185, %shift_right_logical3A_188 : vector<16xi32>
      %xor3A_190 = arith.xori %add3A_182, %or3A_189 : vector<16xi32>
      %add3A_191 = arith.addi %add3A_182, %xor3A_190 : vector<16xi32>
      %shift_left3A_192 = arith.constant 24 : i32
      %shift_left3A_193 = vector.broadcast %shift_left3A_192 : i32 to vector<16xi32>
      %shift_left3A_194 = arith.shli %xor3A_190, %shift_left3A_193 : vector<16xi32>
      %shift_right_logical3A_195 = arith.constant 8 : i32
      %shift_right_logical3A_196 = vector.broadcast %shift_right_logical3A_195 : i32 to vector<16xi32>
      %shift_right_logical3A_197 = arith.shrui %xor3A_190, %shift_right_logical3A_196 : vector<16xi32>
      %or3A_198 = arith.ori %shift_left3A_194, %shift_right_logical3A_197 : vector<16xi32>
      %xor3A_199 = arith.xori %add3A_191, %or3A_198 : vector<16xi32>
      %add3A_200 = arith.constant 1 : i32
      %add3A_201 = vector.broadcast %add3A_200 : i32 to vector<16xi32>
      %add3A_202 = arith.addi %add3A_191, %add3A_201 : vector<16xi32>
      %add3A_203 = vector.broadcast %xor3A_29 : i32 to vector<16xi32>
      %add3A_204 = arith.addi %xor3A_199, %add3A_203 : vector<16xi32>
      %add3A_205 = arith.constant 4 : i32
      %add3A_206 = vector.broadcast %add3A_205 : i32 to vector<16xi32>
      %add3A_207 = arith.addi %add3A_204, %add3A_206 : vector<16xi32>
      %add3A_208 = arith.addi %add3A_202, %add3A_207 : vector<16xi32>
      %shift_left3A_209 = arith.constant 13 : i32
      %shift_left3A_210 = vector.broadcast %shift_left3A_209 : i32 to vector<16xi32>
      %shift_left3A_211 = arith.shli %add3A_207, %shift_left3A_210 : vector<16xi32>
      %shift_right_logical3A_212 = arith.constant 19 : i32
      %shift_right_logical3A_213 = vector.broadcast %shift_right_logical3A_212 : i32 to vector<16xi32>
      %shift_right_logical3A_214 = arith.shrui %add3A_207, %shift_right_logical3A_213 : vector<16xi32>
      %or3A_215 = arith.ori %shift_left3A_211, %shift_right_logical3A_214 : vector<16xi32>
      %xor3A_216 = arith.xori %add3A_208, %or3A_215 : vector<16xi32>
      %add3A_217 = arith.addi %add3A_208, %xor3A_216 : vector<16xi32>
      %shift_left3A_218 = arith.constant 15 : i32
      %shift_left3A_219 = vector.broadcast %shift_left3A_218 : i32 to vector<16xi32>
      %shift_left3A_220 = arith.shli %xor3A_216, %shift_left3A_219 : vector<16xi32>
      %shift_right_logical3A_221 = arith.constant 17 : i32
      %shift_right_logical3A_222 = vector.broadcast %shift_right_logical3A_221 : i32 to vector<16xi32>
      %shift_right_logical3A_223 = arith.shrui %xor3A_216, %shift_right_logical3A_222 : vector<16xi32>
      %or3A_224 = arith.ori %shift_left3A_220, %shift_right_logical3A_223 : vector<16xi32>
      %xor3A_225 = arith.xori %add3A_217, %or3A_224 : vector<16xi32>
      %add3A_226 = arith.addi %add3A_217, %xor3A_225 : vector<16xi32>
      %shift_left3A_227 = arith.constant 26 : i32
      %shift_left3A_228 = vector.broadcast %shift_left3A_227 : i32 to vector<16xi32>
      %shift_left3A_229 = arith.shli %xor3A_225, %shift_left3A_228 : vector<16xi32>
      %shift_right_logical3A_230 = arith.constant 6 : i32
      %shift_right_logical3A_231 = vector.broadcast %shift_right_logical3A_230 : i32 to vector<16xi32>
      %shift_right_logical3A_232 = arith.shrui %xor3A_225, %shift_right_logical3A_231 : vector<16xi32>
      %or3A_233 = arith.ori %shift_left3A_229, %shift_right_logical3A_232 : vector<16xi32>
      %xor3A_234 = arith.xori %add3A_226, %or3A_233 : vector<16xi32>
      %add3A_235 = arith.addi %add3A_226, %xor3A_234 : vector<16xi32>
      %shift_left3A_236 = arith.constant 6 : i32
      %shift_left3A_237 = vector.broadcast %shift_left3A_236 : i32 to vector<16xi32>
      %shift_left3A_238 = arith.shli %xor3A_234, %shift_left3A_237 : vector<16xi32>
      %shift_right_logical3A_239 = arith.constant 26 : i32
      %shift_right_logical3A_240 = vector.broadcast %shift_right_logical3A_239 : i32 to vector<16xi32>
      %shift_right_logical3A_241 = arith.shrui %xor3A_234, %shift_right_logical3A_240 : vector<16xi32>
      %or3A_242 = arith.ori %shift_left3A_238, %shift_right_logical3A_241 : vector<16xi32>
      %xor3A_243 = arith.xori %add3A_235, %or3A_242 : vector<16xi32>
      %add3A_244 = vector.broadcast %xor3A_29 : i32 to vector<16xi32>
      %add3A_245 = arith.addi %add3A_235, %add3A_244 : vector<16xi32>
      %add3A_246 = arith.constant 0 : i32
      %add3A_247 = vector.broadcast %add3A_246 : i32 to vector<16xi32>
      %add3A_248 = arith.addi %xor3A_243, %add3A_247 : vector<16xi32>
      %add3A_249 = arith.constant 5 : i32
      %add3A_250 = vector.broadcast %add3A_249 : i32 to vector<16xi32>
      %add3A_251 = arith.addi %add3A_248, %add3A_250 : vector<16xi32>
      %xor3A_252 = arith.xori %add3A_245, %add3A_251 : vector<16xi32>
      %shift_right_logical3A_253 = arith.constant 9 : i32
      %shift_right_logical3A_254 = vector.broadcast %shift_right_logical3A_253 : i32 to vector<16xi32>
      %shift_right_logical3A_255 = arith.shrui %xor3A_252, %shift_right_logical3A_254 : vector<16xi32>
      %or3A_256 = arith.constant 1065353216 : i32
      %or3A_257 = vector.broadcast %or3A_256 : i32 to vector<16xi32>
      %or3A_258 = arith.ori %shift_right_logical3A_255, %or3A_257 : vector<16xi32>
      %bitcast_convert_type3A = tpu.bitcast %or3A_258 : vector<16xi32> -> vector<16xf32>
      %sub3A = arith.constant 1.000000e+00 : f32
      %sub3A_259 = vector.broadcast %sub3A : f32 to vector<16xf32>
      %sub3A_260 = arith.subf %bitcast_convert_type3A, %sub3A_259 : vector<16xf32>
      %add3A_261 = arith.constant 1.17549435E-38 : f32
      %add3A_262 = vector.broadcast %add3A_261 : f32 to vector<16xf32>
      %add3A_263 = arith.addf %sub3A_260, %add3A_262 : vector<16xf32>
      %max3A = arith.constant 1.17549435E-38 : f32
      %max3A_264 = vector.broadcast %max3A : f32 to vector<16xf32>
      %max3A_265 = arith.maximumf %add3A_263, %max3A_264 : vector<16xf32>
      %mul3A_266 = arith.constant 16 : i32
      %mul3A_267 = arith.muli %scan3A_20, %mul3A_266 : i32
      %swap3A = arith.index_cast %mul3A_267 : i32 to index
      %swap3A_268 = tpu.vector_load %arg3[%swap3A] {strides = array<i32>} : memref<6000xf32, #tpu.memory_space<vmem>>, vector<16xf32>,
      %swap3A_269 = vector.shape_cast %swap3A_268 : vector<16xf32> to vector<16xf32>
      %swap3A_270 = vector.shape_cast %max3A_265 : vector<16xf32> to vector<16xf32>
      tpu.vector_store %arg3[%swap3A], %swap3A_270 {strides = array<i32>} : memref<6000xf32, #tpu.memory_space<vmem>>, vector<16xf32>,
      %scan3A_271 = arith.constant 375 : i32
      %mul3A_272 = arith.constant 6000 : i32
      %mul3A_273 = arith.muli %scan3A_9, %mul3A_272 : i32
      %add3A_274 = arith.addi %mul3A_2, %mul3A_273 : i32
      "tpu.region"() ({
        %run_scoped3A = tpu.sem_alloc : memref<!tpu.dma_semaphore, #tpu.memory_space<semaphore_mem>>
        %dma_start3A = tpu.memref_slice %arg2[%add3A_274] : memref<24000000xf32, #tpu.memory_space<hbm>> -> memref<6000xf32, #tpu.memory_space<hbm>>
        %dma_start3A_275 = tpu.memref_slice %arg2[%add3A_274] : memref<24000000xf32, #tpu.memory_space<hbm>> -> memref<6000xf32, #tpu.memory_space<hbm>>
        tpu.enqueue_dma source(%arg3 : memref<6000xf32, #tpu.memory_space<vmem>>) target(%dma_start3A_275 : memref<6000xf32, #tpu.memory_space<hbm>>) target_semaphore(%run_scoped3A : memref<!tpu.dma_semaphore, #tpu.memory_space<semaphore_mem>>)
        %dma_wait3A = tpu.memref_slice %arg2[%add3A_274] : memref<24000000xf32, #tpu.memory_space<hbm>> -> memref<6000xf32, #tpu.memory_space<hbm>>
        %dma_wait3A_276 = tpu.memref_slice %arg2[%add3A_274] : memref<24000000xf32, #tpu.memory_space<hbm>> -> memref<6000xf32, #tpu.memory_space<hbm>>
        tpu.wait_dma2 semaphore(%run_scoped3A : memref<!tpu.dma_semaphore, #tpu.memory_space<semaphore_mem>>) src(%arg3 : memref<6000xf32, #tpu.memory_space<vmem>>) dst(%dma_wait3A_276 : memref<6000xf32, #tpu.memory_space<hbm>>)
        tpu.yield
      }) : () -> ()
    }
    %scan3A_8 = arith.constant 125 : i32
    return
  }
}

module attributes {stable_mosaic.version = 14 : i64} {
  func.func @_tc_full_kernel(%arg0: i32, %arg1: memref<40x1xf32, #tpu.memory_space<vmem>>, %arg2: memref<40x16384xf32, #tpu.memory_space<vmem>>, %arg3: memref<40x1xi32, #tpu.memory_space<vmem>>, %arg4: memref<40x1xf32, #tpu.memory_space<vmem>>, %arg5: memref<40x1xi32, #tpu.memory_space<vmem>>, %arg6: memref<40x1xf32, #tpu.memory_space<vmem>>, %arg7: memref<40x1xi32, #tpu.memory_space<vmem>>) attributes {dimension_semantics = [#tpu.dimension_semantics<arbitrary>], iteration_bounds = array<i64: 62>, scalar_prefetch = 0 : i64, scratch_operands = 4 : i64, tpu.core_type = #tpu.core_type<tc>, window_params = [{transform_indices = @transform_0, window_bounds = array<i64: 40, 1>}, {transform_indices = @transform_1, window_bounds = array<i64: 40, 16384>}, {pipeline_mode = #tpu.pipeline_mode<synchronous>, transform_indices = @transform_2, window_bounds = array<i64: 40, 1>}]} {
    %eq3A = arith.constant 0 : i32
    %eq3A_0 = arith.cmpi eq, %arg0, %eq3A : i32
    %convert_element_type3A = arith.extui %eq3A_0 : i1 to i32
    %cond3A = arith.constant 0 : i32
    %cond3A_1 = arith.cmpi ne, %convert_element_type3A, %cond3A : i32
    scf.if %cond3A_1 {
      %broadcast_in_dim3A_330 = arith.constant 0xFF800000 : f32
      %broadcast_in_dim3A_331 = vector.broadcast %broadcast_in_dim3A_330 : f32 to vector<40x1xf32>
      %swap3A_332 = arith.constant 0 : index
      %swap3A_333 = arith.constant 0 : index
      %swap3A_334 = vector.load %arg4[%swap3A_332, %swap3A_333] : memref<40x1xf32, #tpu.memory_space<vmem>>, vector<40x1xf32>
      tpu.vector_store %arg4[%swap3A_332, %swap3A_333], %broadcast_in_dim3A_331 {strides = array<i32>} : memref<40x1xf32, #tpu.memory_space<vmem>>, vector<40x1xf32>,
      %broadcast_in_dim3A_335 = arith.constant 0 : i32
      %broadcast_in_dim3A_336 = vector.broadcast %broadcast_in_dim3A_335 : i32 to vector<40x1xi32>
      %swap3A_337 = arith.constant 0 : index
      %swap3A_338 = arith.constant 0 : index
      %swap3A_339 = vector.load %arg5[%swap3A_337, %swap3A_338] : memref<40x1xi32, #tpu.memory_space<vmem>>, vector<40x1xi32>
      tpu.vector_store %arg5[%swap3A_337, %swap3A_338], %broadcast_in_dim3A_336 {strides = array<i32>} : memref<40x1xi32, #tpu.memory_space<vmem>>, vector<40x1xi32>,
      %broadcast_in_dim3A_340 = arith.constant 0xFF800000 : f32
      %broadcast_in_dim3A_341 = vector.broadcast %broadcast_in_dim3A_340 : f32 to vector<40x1xf32>
      %swap3A_342 = arith.constant 0 : index
      %swap3A_343 = arith.constant 0 : index
      %swap3A_344 = vector.load %arg6[%swap3A_342, %swap3A_343] : memref<40x1xf32, #tpu.memory_space<vmem>>, vector<40x1xf32>
      tpu.vector_store %arg6[%swap3A_342, %swap3A_343], %broadcast_in_dim3A_341 {strides = array<i32>} : memref<40x1xf32, #tpu.memory_space<vmem>>, vector<40x1xf32>,
      %broadcast_in_dim3A_345 = arith.constant 0 : i32
      %broadcast_in_dim3A_346 = vector.broadcast %broadcast_in_dim3A_345 : i32 to vector<40x1xi32>
      %swap3A_347 = arith.constant 0 : index
      %swap3A_348 = arith.constant 0 : index
      %swap3A_349 = vector.load %arg7[%swap3A_347, %swap3A_348] : memref<40x1xi32, #tpu.memory_space<vmem>>, vector<40x1xi32>
      tpu.vector_store %arg7[%swap3A_347, %swap3A_348], %broadcast_in_dim3A_346 {strides = array<i32>} : memref<40x1xi32, #tpu.memory_space<vmem>>, vector<40x1xi32>,
    } else {
    }
    %get3A = arith.constant 0 : index
    %get3A_2 = arith.constant 0 : index
    %get3A_3 = vector.load %arg2[%get3A, %get3A_2] : memref<40x16384xf32, #tpu.memory_space<vmem>>, vector<40x16384xf32>
    %get3A_4 = arith.constant 0 : index
    %get3A_5 = arith.constant 0 : index
    %get3A_6 = vector.load %arg1[%get3A_4, %get3A_5] : memref<40x1xf32, #tpu.memory_space<vmem>>, vector<40x1xf32>
    %max3A = arith.constant 9.99999997E-7 : f32
    %max3A_7 = vector.broadcast %max3A : f32 to vector<40x1xf32>
    %max3A_8 = arith.maximumf %get3A_6, %max3A_7 : vector<40x1xf32>
    %iota3A = tpu.iota {dimensions = array<i32: 1>} : vector<40x16384xi32>
    %mul3A = arith.constant 16384 : i32
    %mul3A_9 = arith.muli %arg0, %mul3A : i32
    %add3A = vector.broadcast %mul3A_9 : i32 to vector<40x16384xi32>
    %add3A_10 = arith.addi %iota3A, %add3A : vector<40x16384xi32>
    %iota3A_11 = tpu.iota {dimensions = array<i32: 0>} : vector<40x16384xi32>
    %mul3A_12 = arith.constant 1000000 : i32
    %mul3A_13 = vector.broadcast %mul3A_12 : i32 to vector<40x16384xi32>
    %mul3A_14 = arith.muli %iota3A_11, %mul3A_13 : vector<40x16384xi32>
    %add3A_15 = arith.addi %add3A_10, %mul3A_14 : vector<40x16384xi32>
    %xor3A = arith.constant 466688986 : i32
    %xor3A_16 = arith.constant 0 : i32
    %xor3A_17 = arith.xori %xor3A, %xor3A_16 : i32
    %xor3A_18 = arith.constant 1 : i32
    %xor3A_19 = arith.xori %xor3A_17, %xor3A_18 : i32
    %broadcast_in_dim3A = arith.constant 0 : i32
    %broadcast_in_dim3A_20 = vector.broadcast %broadcast_in_dim3A : i32 to vector<40x16384xi32>
    %add3A_21 = arith.constant 1 : i32
    %add3A_22 = vector.broadcast %add3A_21 : i32 to vector<40x16384xi32>
    %add3A_23 = arith.addi %add3A_15, %add3A_22 : vector<40x16384xi32>
    %add3A_24 = arith.addi %broadcast_in_dim3A_20, %add3A_23 : vector<40x16384xi32>
    %shift_left3A = arith.constant 13 : i32
    %shift_left3A_25 = vector.broadcast %shift_left3A : i32 to vector<40x16384xi32>
    %shift_left3A_26 = arith.shli %add3A_23, %shift_left3A_25 : vector<40x16384xi32>
    %shift_right_logical3A = arith.constant 19 : i32
    %shift_right_logical3A_27 = vector.broadcast %shift_right_logical3A : i32 to vector<40x16384xi32>
    %shift_right_logical3A_28 = arith.shrui %add3A_23, %shift_right_logical3A_27 : vector<40x16384xi32>
    %or3A = arith.ori %shift_left3A_26, %shift_right_logical3A_28 : vector<40x16384xi32>
    %xor3A_29 = arith.xori %add3A_24, %or3A : vector<40x16384xi32>
    %add3A_30 = arith.addi %add3A_24, %xor3A_29 : vector<40x16384xi32>
    %shift_left3A_31 = arith.constant 15 : i32
    %shift_left3A_32 = vector.broadcast %shift_left3A_31 : i32 to vector<40x16384xi32>
    %shift_left3A_33 = arith.shli %xor3A_29, %shift_left3A_32 : vector<40x16384xi32>
    %shift_right_logical3A_34 = arith.constant 17 : i32
    %shift_right_logical3A_35 = vector.broadcast %shift_right_logical3A_34 : i32 to vector<40x16384xi32>
    %shift_right_logical3A_36 = arith.shrui %xor3A_29, %shift_right_logical3A_35 : vector<40x16384xi32>
    %or3A_37 = arith.ori %shift_left3A_33, %shift_right_logical3A_36 : vector<40x16384xi32>
    %xor3A_38 = arith.xori %add3A_30, %or3A_37 : vector<40x16384xi32>
    %add3A_39 = arith.addi %add3A_30, %xor3A_38 : vector<40x16384xi32>
    %shift_left3A_40 = arith.constant 26 : i32
    %shift_left3A_41 = vector.broadcast %shift_left3A_40 : i32 to vector<40x16384xi32>
    %shift_left3A_42 = arith.shli %xor3A_38, %shift_left3A_41 : vector<40x16384xi32>
    %shift_right_logical3A_43 = arith.constant 6 : i32
    %shift_right_logical3A_44 = vector.broadcast %shift_right_logical3A_43 : i32 to vector<40x16384xi32>
    %shift_right_logical3A_45 = arith.shrui %xor3A_38, %shift_right_logical3A_44 : vector<40x16384xi32>
    %or3A_46 = arith.ori %shift_left3A_42, %shift_right_logical3A_45 : vector<40x16384xi32>
    %xor3A_47 = arith.xori %add3A_39, %or3A_46 : vector<40x16384xi32>
    %add3A_48 = arith.addi %add3A_39, %xor3A_47 : vector<40x16384xi32>
    %shift_left3A_49 = arith.constant 6 : i32
    %shift_left3A_50 = vector.broadcast %shift_left3A_49 : i32 to vector<40x16384xi32>
    %shift_left3A_51 = arith.shli %xor3A_47, %shift_left3A_50 : vector<40x16384xi32>
    %shift_right_logical3A_52 = arith.constant 26 : i32
    %shift_right_logical3A_53 = vector.broadcast %shift_right_logical3A_52 : i32 to vector<40x16384xi32>
    %shift_right_logical3A_54 = arith.shrui %xor3A_47, %shift_right_logical3A_53 : vector<40x16384xi32>
    %or3A_55 = arith.ori %shift_left3A_51, %shift_right_logical3A_54 : vector<40x16384xi32>
    %xor3A_56 = arith.xori %add3A_48, %or3A_55 : vector<40x16384xi32>
    %add3A_57 = arith.constant 1 : i32
    %add3A_58 = vector.broadcast %add3A_57 : i32 to vector<40x16384xi32>
    %add3A_59 = arith.addi %add3A_48, %add3A_58 : vector<40x16384xi32>
    %add3A_60 = vector.broadcast %xor3A_19 : i32 to vector<40x16384xi32>
    %add3A_61 = arith.addi %xor3A_56, %add3A_60 : vector<40x16384xi32>
    %add3A_62 = arith.constant 1 : i32
    %add3A_63 = vector.broadcast %add3A_62 : i32 to vector<40x16384xi32>
    %add3A_64 = arith.addi %add3A_61, %add3A_63 : vector<40x16384xi32>
    %add3A_65 = arith.addi %add3A_59, %add3A_64 : vector<40x16384xi32>
    %shift_left3A_66 = arith.constant 17 : i32
    %shift_left3A_67 = vector.broadcast %shift_left3A_66 : i32 to vector<40x16384xi32>
    %shift_left3A_68 = arith.shli %add3A_64, %shift_left3A_67 : vector<40x16384xi32>
    %shift_right_logical3A_69 = arith.constant 15 : i32
    %shift_right_logical3A_70 = vector.broadcast %shift_right_logical3A_69 : i32 to vector<40x16384xi32>
    %shift_right_logical3A_71 = arith.shrui %add3A_64, %shift_right_logical3A_70 : vector<40x16384xi32>
    %or3A_72 = arith.ori %shift_left3A_68, %shift_right_logical3A_71 : vector<40x16384xi32>
    %xor3A_73 = arith.xori %add3A_65, %or3A_72 : vector<40x16384xi32>
    %add3A_74 = arith.addi %add3A_65, %xor3A_73 : vector<40x16384xi32>
    %shift_left3A_75 = arith.constant 29 : i32
    %shift_left3A_76 = vector.broadcast %shift_left3A_75 : i32 to vector<40x16384xi32>
    %shift_left3A_77 = arith.shli %xor3A_73, %shift_left3A_76 : vector<40x16384xi32>
    %shift_right_logical3A_78 = arith.constant 3 : i32
    %shift_right_logical3A_79 = vector.broadcast %shift_right_logical3A_78 : i32 to vector<40x16384xi32>
    %shift_right_logical3A_80 = arith.shrui %xor3A_73, %shift_right_logical3A_79 : vector<40x16384xi32>
    %or3A_81 = arith.ori %shift_left3A_77, %shift_right_logical3A_80 : vector<40x16384xi32>
    %xor3A_82 = arith.xori %add3A_74, %or3A_81 : vector<40x16384xi32>
    %add3A_83 = arith.addi %add3A_74, %xor3A_82 : vector<40x16384xi32>
    %shift_left3A_84 = arith.constant 16 : i32
    %shift_left3A_85 = vector.broadcast %shift_left3A_84 : i32 to vector<40x16384xi32>
    %shift_left3A_86 = arith.shli %xor3A_82, %shift_left3A_85 : vector<40x16384xi32>
    %shift_right_logical3A_87 = arith.constant 16 : i32
    %shift_right_logical3A_88 = vector.broadcast %shift_right_logical3A_87 : i32 to vector<40x16384xi32>
    %shift_right_logical3A_89 = arith.shrui %xor3A_82, %shift_right_logical3A_88 : vector<40x16384xi32>
    %or3A_90 = arith.ori %shift_left3A_86, %shift_right_logical3A_89 : vector<40x16384xi32>
    %xor3A_91 = arith.xori %add3A_83, %or3A_90 : vector<40x16384xi32>
    %add3A_92 = arith.addi %add3A_83, %xor3A_91 : vector<40x16384xi32>
    %shift_left3A_93 = arith.constant 24 : i32
    %shift_left3A_94 = vector.broadcast %shift_left3A_93 : i32 to vector<40x16384xi32>
    %shift_left3A_95 = arith.shli %xor3A_91, %shift_left3A_94 : vector<40x16384xi32>
    %shift_right_logical3A_96 = arith.constant 8 : i32
    %shift_right_logical3A_97 = vector.broadcast %shift_right_logical3A_96 : i32 to vector<40x16384xi32>
    %shift_right_logical3A_98 = arith.shrui %xor3A_91, %shift_right_logical3A_97 : vector<40x16384xi32>
    %or3A_99 = arith.ori %shift_left3A_95, %shift_right_logical3A_98 : vector<40x16384xi32>
    %xor3A_100 = arith.xori %add3A_92, %or3A_99 : vector<40x16384xi32>
    %add3A_101 = vector.broadcast %xor3A_19 : i32 to vector<40x16384xi32>
    %add3A_102 = arith.addi %add3A_92, %add3A_101 : vector<40x16384xi32>
    %add3A_103 = arith.constant 0 : i32
    %add3A_104 = vector.broadcast %add3A_103 : i32 to vector<40x16384xi32>
    %add3A_105 = arith.addi %xor3A_100, %add3A_104 : vector<40x16384xi32>
    %add3A_106 = arith.constant 2 : i32
    %add3A_107 = vector.broadcast %add3A_106 : i32 to vector<40x16384xi32>
    %add3A_108 = arith.addi %add3A_105, %add3A_107 : vector<40x16384xi32>
    %add3A_109 = arith.addi %add3A_102, %add3A_108 : vector<40x16384xi32>
    %shift_left3A_110 = arith.constant 13 : i32
    %shift_left3A_111 = vector.broadcast %shift_left3A_110 : i32 to vector<40x16384xi32>
    %shift_left3A_112 = arith.shli %add3A_108, %shift_left3A_111 : vector<40x16384xi32>
    %shift_right_logical3A_113 = arith.constant 19 : i32
    %shift_right_logical3A_114 = vector.broadcast %shift_right_logical3A_113 : i32 to vector<40x16384xi32>
    %shift_right_logical3A_115 = arith.shrui %add3A_108, %shift_right_logical3A_114 : vector<40x16384xi32>
    %or3A_116 = arith.ori %shift_left3A_112, %shift_right_logical3A_115 : vector<40x16384xi32>
    %xor3A_117 = arith.xori %add3A_109, %or3A_116 : vector<40x16384xi32>
    %add3A_118 = arith.addi %add3A_109, %xor3A_117 : vector<40x16384xi32>
    %shift_left3A_119 = arith.constant 15 : i32
    %shift_left3A_120 = vector.broadcast %shift_left3A_119 : i32 to vector<40x16384xi32>
    %shift_left3A_121 = arith.shli %xor3A_117, %shift_left3A_120 : vector<40x16384xi32>
    %shift_right_logical3A_122 = arith.constant 17 : i32
    %shift_right_logical3A_123 = vector.broadcast %shift_right_logical3A_122 : i32 to vector<40x16384xi32>
    %shift_right_logical3A_124 = arith.shrui %xor3A_117, %shift_right_logical3A_123 : vector<40x16384xi32>
    %or3A_125 = arith.ori %shift_left3A_121, %shift_right_logical3A_124 : vector<40x16384xi32>
    %xor3A_126 = arith.xori %add3A_118, %or3A_125 : vector<40x16384xi32>
    %add3A_127 = arith.addi %add3A_118, %xor3A_126 : vector<40x16384xi32>
    %shift_left3A_128 = arith.constant 26 : i32
    %shift_left3A_129 = vector.broadcast %shift_left3A_128 : i32 to vector<40x16384xi32>
    %shift_left3A_130 = arith.shli %xor3A_126, %shift_left3A_129 : vector<40x16384xi32>
    %shift_right_logical3A_131 = arith.constant 6 : i32
    %shift_right_logical3A_132 = vector.broadcast %shift_right_logical3A_131 : i32 to vector<40x16384xi32>
    %shift_right_logical3A_133 = arith.shrui %xor3A_126, %shift_right_logical3A_132 : vector<40x16384xi32>
    %or3A_134 = arith.ori %shift_left3A_130, %shift_right_logical3A_133 : vector<40x16384xi32>
    %xor3A_135 = arith.xori %add3A_127, %or3A_134 : vector<40x16384xi32>
    %add3A_136 = arith.addi %add3A_127, %xor3A_135 : vector<40x16384xi32>
    %shift_left3A_137 = arith.constant 6 : i32
    %shift_left3A_138 = vector.broadcast %shift_left3A_137 : i32 to vector<40x16384xi32>
    %shift_left3A_139 = arith.shli %xor3A_135, %shift_left3A_138 : vector<40x16384xi32>
    %shift_right_logical3A_140 = arith.constant 26 : i32
    %shift_right_logical3A_141 = vector.broadcast %shift_right_logical3A_140 : i32 to vector<40x16384xi32>
    %shift_right_logical3A_142 = arith.shrui %xor3A_135, %shift_right_logical3A_141 : vector<40x16384xi32>
    %or3A_143 = arith.ori %shift_left3A_139, %shift_right_logical3A_142 : vector<40x16384xi32>
    %xor3A_144 = arith.xori %add3A_136, %or3A_143 : vector<40x16384xi32>
    %add3A_145 = arith.constant 0 : i32
    %add3A_146 = vector.broadcast %add3A_145 : i32 to vector<40x16384xi32>
    %add3A_147 = arith.addi %add3A_136, %add3A_146 : vector<40x16384xi32>
    %add3A_148 = arith.constant 1 : i32
    %add3A_149 = vector.broadcast %add3A_148 : i32 to vector<40x16384xi32>
    %add3A_150 = arith.addi %xor3A_144, %add3A_149 : vector<40x16384xi32>
    %add3A_151 = arith.constant 3 : i32
    %add3A_152 = vector.broadcast %add3A_151 : i32 to vector<40x16384xi32>
    %add3A_153 = arith.addi %add3A_150, %add3A_152 : vector<40x16384xi32>
    %add3A_154 = arith.addi %add3A_147, %add3A_153 : vector<40x16384xi32>
    %shift_left3A_155 = arith.constant 17 : i32
    %shift_left3A_156 = vector.broadcast %shift_left3A_155 : i32 to vector<40x16384xi32>
    %shift_left3A_157 = arith.shli %add3A_153, %shift_left3A_156 : vector<40x16384xi32>
    %shift_right_logical3A_158 = arith.constant 15 : i32
    %shift_right_logical3A_159 = vector.broadcast %shift_right_logical3A_158 : i32 to vector<40x16384xi32>
    %shift_right_logical3A_160 = arith.shrui %add3A_153, %shift_right_logical3A_159 : vector<40x16384xi32>
    %or3A_161 = arith.ori %shift_left3A_157, %shift_right_logical3A_160 : vector<40x16384xi32>
    %xor3A_162 = arith.xori %add3A_154, %or3A_161 : vector<40x16384xi32>
    %add3A_163 = arith.addi %add3A_154, %xor3A_162 : vector<40x16384xi32>
    %shift_left3A_164 = arith.constant 29 : i32
    %shift_left3A_165 = vector.broadcast %shift_left3A_164 : i32 to vector<40x16384xi32>
    %shift_left3A_166 = arith.shli %xor3A_162, %shift_left3A_165 : vector<40x16384xi32>
    %shift_right_logical3A_167 = arith.constant 3 : i32
    %shift_right_logical3A_168 = vector.broadcast %shift_right_logical3A_167 : i32 to vector<40x16384xi32>
    %shift_right_logical3A_169 = arith.shrui %xor3A_162, %shift_right_logical3A_168 : vector<40x16384xi32>
    %or3A_170 = arith.ori %shift_left3A_166, %shift_right_logical3A_169 : vector<40x16384xi32>
    %xor3A_171 = arith.xori %add3A_163, %or3A_170 : vector<40x16384xi32>
    %add3A_172 = arith.addi %add3A_163, %xor3A_171 : vector<40x16384xi32>
    %shift_left3A_173 = arith.constant 16 : i32
    %shift_left3A_174 = vector.broadcast %shift_left3A_173 : i32 to vector<40x16384xi32>
    %shift_left3A_175 = arith.shli %xor3A_171, %shift_left3A_174 : vector<40x16384xi32>
    %shift_right_logical3A_176 = arith.constant 16 : i32
    %shift_right_logical3A_177 = vector.broadcast %shift_right_logical3A_176 : i32 to vector<40x16384xi32>
    %shift_right_logical3A_178 = arith.shrui %xor3A_171, %shift_right_logical3A_177 : vector<40x16384xi32>
    %or3A_179 = arith.ori %shift_left3A_175, %shift_right_logical3A_178 : vector<40x16384xi32>
    %xor3A_180 = arith.xori %add3A_172, %or3A_179 : vector<40x16384xi32>
    %add3A_181 = arith.addi %add3A_172, %xor3A_180 : vector<40x16384xi32>
    %shift_left3A_182 = arith.constant 24 : i32
    %shift_left3A_183 = vector.broadcast %shift_left3A_182 : i32 to vector<40x16384xi32>
    %shift_left3A_184 = arith.shli %xor3A_180, %shift_left3A_183 : vector<40x16384xi32>
    %shift_right_logical3A_185 = arith.constant 8 : i32
    %shift_right_logical3A_186 = vector.broadcast %shift_right_logical3A_185 : i32 to vector<40x16384xi32>
    %shift_right_logical3A_187 = arith.shrui %xor3A_180, %shift_right_logical3A_186 : vector<40x16384xi32>
    %or3A_188 = arith.ori %shift_left3A_184, %shift_right_logical3A_187 : vector<40x16384xi32>
    %xor3A_189 = arith.xori %add3A_181, %or3A_188 : vector<40x16384xi32>
    %add3A_190 = arith.constant 1 : i32
    %add3A_191 = vector.broadcast %add3A_190 : i32 to vector<40x16384xi32>
    %add3A_192 = arith.addi %add3A_181, %add3A_191 : vector<40x16384xi32>
    %add3A_193 = vector.broadcast %xor3A_19 : i32 to vector<40x16384xi32>
    %add3A_194 = arith.addi %xor3A_189, %add3A_193 : vector<40x16384xi32>
    %add3A_195 = arith.constant 4 : i32
    %add3A_196 = vector.broadcast %add3A_195 : i32 to vector<40x16384xi32>
    %add3A_197 = arith.addi %add3A_194, %add3A_196 : vector<40x16384xi32>
    %add3A_198 = arith.addi %add3A_192, %add3A_197 : vector<40x16384xi32>
    %shift_left3A_199 = arith.constant 13 : i32
    %shift_left3A_200 = vector.broadcast %shift_left3A_199 : i32 to vector<40x16384xi32>
    %shift_left3A_201 = arith.shli %add3A_197, %shift_left3A_200 : vector<40x16384xi32>
    %shift_right_logical3A_202 = arith.constant 19 : i32
    %shift_right_logical3A_203 = vector.broadcast %shift_right_logical3A_202 : i32 to vector<40x16384xi32>
    %shift_right_logical3A_204 = arith.shrui %add3A_197, %shift_right_logical3A_203 : vector<40x16384xi32>
    %or3A_205 = arith.ori %shift_left3A_201, %shift_right_logical3A_204 : vector<40x16384xi32>
    %xor3A_206 = arith.xori %add3A_198, %or3A_205 : vector<40x16384xi32>
    %add3A_207 = arith.addi %add3A_198, %xor3A_206 : vector<40x16384xi32>
    %shift_left3A_208 = arith.constant 15 : i32
    %shift_left3A_209 = vector.broadcast %shift_left3A_208 : i32 to vector<40x16384xi32>
    %shift_left3A_210 = arith.shli %xor3A_206, %shift_left3A_209 : vector<40x16384xi32>
    %shift_right_logical3A_211 = arith.constant 17 : i32
    %shift_right_logical3A_212 = vector.broadcast %shift_right_logical3A_211 : i32 to vector<40x16384xi32>
    %shift_right_logical3A_213 = arith.shrui %xor3A_206, %shift_right_logical3A_212 : vector<40x16384xi32>
    %or3A_214 = arith.ori %shift_left3A_210, %shift_right_logical3A_213 : vector<40x16384xi32>
    %xor3A_215 = arith.xori %add3A_207, %or3A_214 : vector<40x16384xi32>
    %add3A_216 = arith.addi %add3A_207, %xor3A_215 : vector<40x16384xi32>
    %shift_left3A_217 = arith.constant 26 : i32
    %shift_left3A_218 = vector.broadcast %shift_left3A_217 : i32 to vector<40x16384xi32>
    %shift_left3A_219 = arith.shli %xor3A_215, %shift_left3A_218 : vector<40x16384xi32>
    %shift_right_logical3A_220 = arith.constant 6 : i32
    %shift_right_logical3A_221 = vector.broadcast %shift_right_logical3A_220 : i32 to vector<40x16384xi32>
    %shift_right_logical3A_222 = arith.shrui %xor3A_215, %shift_right_logical3A_221 : vector<40x16384xi32>
    %or3A_223 = arith.ori %shift_left3A_219, %shift_right_logical3A_222 : vector<40x16384xi32>
    %xor3A_224 = arith.xori %add3A_216, %or3A_223 : vector<40x16384xi32>
    %add3A_225 = arith.addi %add3A_216, %xor3A_224 : vector<40x16384xi32>
    %shift_left3A_226 = arith.constant 6 : i32
    %shift_left3A_227 = vector.broadcast %shift_left3A_226 : i32 to vector<40x16384xi32>
    %shift_left3A_228 = arith.shli %xor3A_224, %shift_left3A_227 : vector<40x16384xi32>
    %shift_right_logical3A_229 = arith.constant 26 : i32
    %shift_right_logical3A_230 = vector.broadcast %shift_right_logical3A_229 : i32 to vector<40x16384xi32>
    %shift_right_logical3A_231 = arith.shrui %xor3A_224, %shift_right_logical3A_230 : vector<40x16384xi32>
    %or3A_232 = arith.ori %shift_left3A_228, %shift_right_logical3A_231 : vector<40x16384xi32>
    %xor3A_233 = arith.xori %add3A_225, %or3A_232 : vector<40x16384xi32>
    %add3A_234 = vector.broadcast %xor3A_19 : i32 to vector<40x16384xi32>
    %add3A_235 = arith.addi %add3A_225, %add3A_234 : vector<40x16384xi32>
    %add3A_236 = arith.constant 0 : i32
    %add3A_237 = vector.broadcast %add3A_236 : i32 to vector<40x16384xi32>
    %add3A_238 = arith.addi %xor3A_233, %add3A_237 : vector<40x16384xi32>
    %add3A_239 = arith.constant 5 : i32
    %add3A_240 = vector.broadcast %add3A_239 : i32 to vector<40x16384xi32>
    %add3A_241 = arith.addi %add3A_238, %add3A_240 : vector<40x16384xi32>
    %xor3A_242 = arith.xori %add3A_235, %add3A_241 : vector<40x16384xi32>
    %shift_right_logical3A_243 = arith.constant 9 : i32
    %shift_right_logical3A_244 = vector.broadcast %shift_right_logical3A_243 : i32 to vector<40x16384xi32>
    %shift_right_logical3A_245 = arith.shrui %xor3A_242, %shift_right_logical3A_244 : vector<40x16384xi32>
    %or3A_246 = arith.constant 1065353216 : i32
    %or3A_247 = vector.broadcast %or3A_246 : i32 to vector<40x16384xi32>
    %or3A_248 = arith.ori %shift_right_logical3A_245, %or3A_247 : vector<40x16384xi32>
    %bitcast_convert_type3A = tpu.bitcast %or3A_248 : vector<40x16384xi32> -> vector<40x16384xf32>
    %sub3A = arith.constant 1.000000e+00 : f32
    %sub3A_249 = vector.broadcast %sub3A : f32 to vector<40x16384xf32>
    %sub3A_250 = arith.subf %bitcast_convert_type3A, %sub3A_249 : vector<40x16384xf32>
    %add3A_251 = arith.constant 1.17549435E-38 : f32
    %add3A_252 = vector.broadcast %add3A_251 : f32 to vector<40x16384xf32>
    %add3A_253 = arith.addf %sub3A_250, %add3A_252 : vector<40x16384xf32>
    %max3A_254 = arith.constant 1.17549435E-38 : f32
    %max3A_255 = vector.broadcast %max3A_254 : f32 to vector<40x16384xf32>
    %max3A_256 = arith.maximumf %add3A_253, %max3A_255 : vector<40x16384xf32>
    %log3A = math.log %max3A_256 : vector<40x16384xf32>
    %neg3A = arith.constant 0.000000e+00 : f32
    %neg3A_257 = vector.broadcast %neg3A : f32 to vector<40x16384xf32>
    %neg3A_258 = arith.subf %neg3A_257, %log3A : vector<40x16384xf32>
    %log3A_259 = math.log %neg3A_258 : vector<40x16384xf32>
    %neg3A_260 = arith.constant 0.000000e+00 : f32
    %neg3A_261 = vector.broadcast %neg3A_260 : f32 to vector<40x16384xf32>
    %neg3A_262 = arith.subf %neg3A_261, %log3A_259 : vector<40x16384xf32>
    %lt3A = arith.constant 1000000 : i32
    %lt3A_263 = vector.broadcast %lt3A : i32 to vector<40x16384xi32>
    %lt3A_264 = arith.cmpi slt, %add3A_10, %lt3A_263 : vector<40x16384xi32>
    %div3A = vector.broadcast %max3A_8 : vector<40x1xf32> to vector<40x16384xf32>
    %div3A_265 = arith.divf %get3A_3, %div3A : vector<40x16384xf32>
    %add3A_266 = arith.addf %div3A_265, %neg3A_262 : vector<40x16384xf32>
    %jit3A = arith.constant 0xFF800000 : f32
    %broadcast_in_dim3A_267 = vector.broadcast %jit3A : f32 to vector<40x16384xf32>
    %select_n3A = arith.select %lt3A_264, %add3A_266, %broadcast_in_dim3A_267 : vector<40x16384xi1>, vector<40x16384xf32>
    %jit3A_268 = arith.constant 0xFF800000 : f32
    %broadcast_in_dim3A_269 = vector.broadcast %jit3A_268 : f32 to vector<40x16384xf32>
    %select_n3A_270 = arith.select %lt3A_264, %get3A_3, %broadcast_in_dim3A_269 : vector<40x16384xi1>, vector<40x16384xf32>
    %reduce_max3A = arith.constant dense<0xFF800000> : vector<40xf32>
    %reduce_max3A_271 = vector.multi_reduction <maximumf>, %select_n3A, %reduce_max3A [1] : vector<40x16384xf32> to vector<40xf32>
    %broadcast_in_dim3A_272 = vector.shape_cast %reduce_max3A_271 : vector<40xf32> to vector<40x1xf32>
    %eq3A_273 = vector.broadcast %broadcast_in_dim3A_272 : vector<40x1xf32> to vector<40x16384xf32>
    %eq3A_274 = arith.cmpf oeq, %select_n3A, %eq3A_273 : vector<40x16384xf32>
    %jit3A_275 = arith.constant 2147483647 : i32
    %broadcast_in_dim3A_276 = vector.broadcast %jit3A_275 : i32 to vector<40x16384xi32>
    %select_n3A_277 = arith.select %eq3A_274, %add3A_10, %broadcast_in_dim3A_276 : vector<40x16384xi1>, vector<40x16384xi32>
    %reduce_min3A = arith.constant dense<2147483647> : vector<40xi32>
    %reduce_min3A_278 = vector.multi_reduction <minsi>, %select_n3A_277, %reduce_min3A [1] : vector<40x16384xi32> to vector<40xi32>
    %broadcast_in_dim3A_279 = vector.shape_cast %reduce_min3A_278 : vector<40xi32> to vector<40x1xi32>
    %get3A_280 = arith.constant 0 : index
    %get3A_281 = arith.constant 0 : index
    %get3A_282 = vector.load %arg4[%get3A_280, %get3A_281] : memref<40x1xf32, #tpu.memory_space<vmem>>, vector<40x1xf32>
    %gt3A = arith.cmpf ogt, %broadcast_in_dim3A_272, %get3A_282 : vector<40x1xf32>
    %get3A_283 = arith.constant 0 : index
    %get3A_284 = arith.constant 0 : index
    %get3A_285 = vector.load %arg5[%get3A_283, %get3A_284] : memref<40x1xi32, #tpu.memory_space<vmem>>, vector<40x1xi32>
    %select_n3A_286 = arith.select %gt3A, %broadcast_in_dim3A_279, %get3A_285 : vector<40x1xi1>, vector<40x1xi32>
    %swap3A = arith.constant 0 : index
    %swap3A_287 = arith.constant 0 : index
    %swap3A_288 = vector.load %arg5[%swap3A, %swap3A_287] : memref<40x1xi32, #tpu.memory_space<vmem>>, vector<40x1xi32>
    tpu.vector_store %arg5[%swap3A, %swap3A_287], %select_n3A_286 {strides = array<i32>} : memref<40x1xi32, #tpu.memory_space<vmem>>, vector<40x1xi32>,
    %get3A_289 = arith.constant 0 : index
    %get3A_290 = arith.constant 0 : index
    %get3A_291 = vector.load %arg4[%get3A_289, %get3A_290] : memref<40x1xf32, #tpu.memory_space<vmem>>, vector<40x1xf32>
    %select_n3A_292 = arith.select %gt3A, %broadcast_in_dim3A_272, %get3A_291 : vector<40x1xi1>, vector<40x1xf32>
    %swap3A_293 = arith.constant 0 : index
    %swap3A_294 = arith.constant 0 : index
    %swap3A_295 = vector.load %arg4[%swap3A_293, %swap3A_294] : memref<40x1xf32, #tpu.memory_space<vmem>>, vector<40x1xf32>
    tpu.vector_store %arg4[%swap3A_293, %swap3A_294], %select_n3A_292 {strides = array<i32>} : memref<40x1xf32, #tpu.memory_space<vmem>>, vector<40x1xf32>,
    %reduce_max3A_296 = arith.constant dense<0xFF800000> : vector<40xf32>
    %reduce_max3A_297 = vector.multi_reduction <maximumf>, %select_n3A_270, %reduce_max3A_296 [1] : vector<40x16384xf32> to vector<40xf32>
    %broadcast_in_dim3A_298 = vector.shape_cast %reduce_max3A_297 : vector<40xf32> to vector<40x1xf32>
    %eq3A_299 = vector.broadcast %broadcast_in_dim3A_298 : vector<40x1xf32> to vector<40x16384xf32>
    %eq3A_300 = arith.cmpf oeq, %select_n3A_270, %eq3A_299 : vector<40x16384xf32>
    %jit3A_301 = arith.constant 2147483647 : i32
    %broadcast_in_dim3A_302 = vector.broadcast %jit3A_301 : i32 to vector<40x16384xi32>
    %select_n3A_303 = arith.select %eq3A_300, %add3A_10, %broadcast_in_dim3A_302 : vector<40x16384xi1>, vector<40x16384xi32>
    %reduce_min3A_304 = arith.constant dense<2147483647> : vector<40xi32>
    %reduce_min3A_305 = vector.multi_reduction <minsi>, %select_n3A_303, %reduce_min3A_304 [1] : vector<40x16384xi32> to vector<40xi32>
    %broadcast_in_dim3A_306 = vector.shape_cast %reduce_min3A_305 : vector<40xi32> to vector<40x1xi32>
    %get3A_307 = arith.constant 0 : index
    %get3A_308 = arith.constant 0 : index
    %get3A_309 = vector.load %arg6[%get3A_307, %get3A_308] : memref<40x1xf32, #tpu.memory_space<vmem>>, vector<40x1xf32>
    %gt3A_310 = arith.cmpf ogt, %broadcast_in_dim3A_298, %get3A_309 : vector<40x1xf32>
    %get3A_311 = arith.constant 0 : index
    %get3A_312 = arith.constant 0 : index
    %get3A_313 = vector.load %arg7[%get3A_311, %get3A_312] : memref<40x1xi32, #tpu.memory_space<vmem>>, vector<40x1xi32>
    %select_n3A_314 = arith.select %gt3A_310, %broadcast_in_dim3A_306, %get3A_313 : vector<40x1xi1>, vector<40x1xi32>
    %swap3A_315 = arith.constant 0 : index
    %swap3A_316 = arith.constant 0 : index
    %swap3A_317 = vector.load %arg7[%swap3A_315, %swap3A_316] : memref<40x1xi32, #tpu.memory_space<vmem>>, vector<40x1xi32>
    tpu.vector_store %arg7[%swap3A_315, %swap3A_316], %select_n3A_314 {strides = array<i32>} : memref<40x1xi32, #tpu.memory_space<vmem>>, vector<40x1xi32>,
    %get3A_318 = arith.constant 0 : index
    %get3A_319 = arith.constant 0 : index
    %get3A_320 = vector.load %arg6[%get3A_318, %get3A_319] : memref<40x1xf32, #tpu.memory_space<vmem>>, vector<40x1xf32>
    %select_n3A_321 = arith.select %gt3A_310, %broadcast_in_dim3A_298, %get3A_320 : vector<40x1xi1>, vector<40x1xf32>
    %swap3A_322 = arith.constant 0 : index
    %swap3A_323 = arith.constant 0 : index
    %swap3A_324 = vector.load %arg6[%swap3A_322, %swap3A_323] : memref<40x1xf32, #tpu.memory_space<vmem>>, vector<40x1xf32>
    tpu.vector_store %arg6[%swap3A_322, %swap3A_323], %select_n3A_321 {strides = array<i32>} : memref<40x1xf32, #tpu.memory_space<vmem>>, vector<40x1xf32>,
    %eq3A_325 = arith.constant 61 : i32
    %eq3A_326 = arith.cmpi eq, %arg0, %eq3A_325 : i32
    %convert_element_type3A_327 = arith.extui %eq3A_326 : i1 to i32
    %cond3A_328 = arith.constant 0 : i32
    %cond3A_329 = arith.cmpi ne, %convert_element_type3A_327, %cond3A_328 : i32
    scf.if %cond3A_329 {
      %get3A_330 = arith.constant 0 : index
      %get3A_331 = arith.constant 0 : index
      %get3A_332 = vector.load %arg1[%get3A_330, %get3A_331] : memref<40x1xf32, #tpu.memory_space<vmem>>, vector<40x1xf32>
      %le3A = arith.constant 9.99999997E-7 : f32
      %le3A_333 = vector.broadcast %le3A : f32 to vector<40x1xf32>
      %le3A_334 = arith.cmpf ole, %get3A_332, %le3A_333 : vector<40x1xf32>
      %get3A_335 = arith.constant 0 : index
      %get3A_336 = arith.constant 0 : index
      %get3A_337 = vector.load %arg7[%get3A_335, %get3A_336] : memref<40x1xi32, #tpu.memory_space<vmem>>, vector<40x1xi32>
      %get3A_338 = arith.constant 0 : index
      %get3A_339 = arith.constant 0 : index
      %get3A_340 = vector.load %arg5[%get3A_338, %get3A_339] : memref<40x1xi32, #tpu.memory_space<vmem>>, vector<40x1xi32>
      %select_n3A_341 = arith.select %le3A_334, %get3A_337, %get3A_340 : vector<40x1xi1>, vector<40x1xi32>
      %swap3A_342 = arith.constant 0 : index
      %swap3A_343 = arith.constant 0 : index
      %swap3A_344 = vector.load %arg3[%swap3A_342, %swap3A_343] : memref<40x1xi32, #tpu.memory_space<vmem>>, vector<40x1xi32>
      tpu.vector_store %arg3[%swap3A_342, %swap3A_343], %select_n3A_341 {strides = array<i32>} : memref<40x1xi32, #tpu.memory_space<vmem>>, vector<40x1xi32>,
    } else {
    }
    return
  }
  func.func @transform_0(%arg0: i32) -> (i32, i32) {
    %c0_i32 = arith.constant 0 : i32
    %c0_i32_0 = arith.constant 0 : i32
    %c0_i32_1 = arith.constant 0 : i32
    return %c0_i32, %c0_i32_0 : i32, i32
  }
  func.func @transform_1(%arg0: i32) -> (i32, i32) {
    %c0_i32 = arith.constant 0 : i32
    %c0_i32_0 = arith.constant 0 : i32
    return %c0_i32, %arg0 : i32, i32
  }
  func.func @transform_2(%arg0: i32) -> (i32, i32) {
    %c0_i32 = arith.constant 0 : i32
    %c0_i32_0 = arith.constant 0 : i32
    %c0_i32_1 = arith.constant 0 : i32
    return %c0_i32, %c0_i32_0 : i32, i32
  }
}

module attributes {stable_mosaic.version = 14 : i64} {
  func.func @_tc_fold_kernel(%arg0: i32, %arg1: i32, %arg2: memref<8x1xf32, #tpu.memory_space<vmem>>, %arg3: memref<8x16384xf32, #tpu.memory_space<vmem>>, %arg4: memref<8x16384xf32, #tpu.memory_space<vmem>>, %arg5: memref<8x1xi32, #tpu.memory_space<vmem>>, %arg6: memref<8x1xf32, #tpu.memory_space<vmem>>, %arg7: memref<8x1xi32, #tpu.memory_space<vmem>>, %arg8: memref<8x1xf32, #tpu.memory_space<vmem>>, %arg9: memref<8x1xi32, #tpu.memory_space<vmem>>) attributes {dimension_semantics = [#tpu.dimension_semantics<arbitrary>, #tpu.dimension_semantics<arbitrary>], iteration_bounds = array<i64: 3, 62>, scalar_prefetch = 0 : i64, scratch_operands = 4 : i64, tpu.core_type = #tpu.core_type<tc>, window_params = [{transform_indices = @transform_0, window_bounds = array<i64: 8, 1>}, {transform_indices = @transform_1, window_bounds = array<i64: 8, 16384>}, {transform_indices = @transform_2, window_bounds = array<i64: 8, 16384>}, {transform_indices = @transform_3, window_bounds = array<i64: 8, 1>}]} {
    %eq3A = arith.constant 0 : i32
    %eq3A_0 = arith.cmpi eq, %arg1, %eq3A : i32
    %convert_element_type3A = arith.extui %eq3A_0 : i1 to i32
    %cond3A = arith.constant 0 : i32
    %cond3A_1 = arith.cmpi ne, %convert_element_type3A, %cond3A : i32
    scf.if %cond3A_1 {
      %broadcast_in_dim3A_86 = arith.constant 0xFF800000 : f32
      %broadcast_in_dim3A_87 = vector.broadcast %broadcast_in_dim3A_86 : f32 to vector<8x1xf32>
      %swap3A_88 = arith.constant 0 : index
      %swap3A_89 = arith.constant 0 : index
      %swap3A_90 = vector.load %arg6[%swap3A_88, %swap3A_89] : memref<8x1xf32, #tpu.memory_space<vmem>>, vector<8x1xf32>
      tpu.vector_store %arg6[%swap3A_88, %swap3A_89], %broadcast_in_dim3A_87 {strides = array<i32>} : memref<8x1xf32, #tpu.memory_space<vmem>>, vector<8x1xf32>,
      %broadcast_in_dim3A_91 = arith.constant 0 : i32
      %broadcast_in_dim3A_92 = vector.broadcast %broadcast_in_dim3A_91 : i32 to vector<8x1xi32>
      %swap3A_93 = arith.constant 0 : index
      %swap3A_94 = arith.constant 0 : index
      %swap3A_95 = vector.load %arg7[%swap3A_93, %swap3A_94] : memref<8x1xi32, #tpu.memory_space<vmem>>, vector<8x1xi32>
      tpu.vector_store %arg7[%swap3A_93, %swap3A_94], %broadcast_in_dim3A_92 {strides = array<i32>} : memref<8x1xi32, #tpu.memory_space<vmem>>, vector<8x1xi32>,
      %broadcast_in_dim3A_96 = arith.constant 0xFF800000 : f32
      %broadcast_in_dim3A_97 = vector.broadcast %broadcast_in_dim3A_96 : f32 to vector<8x1xf32>
      %swap3A_98 = arith.constant 0 : index
      %swap3A_99 = arith.constant 0 : index
      %swap3A_100 = vector.load %arg8[%swap3A_98, %swap3A_99] : memref<8x1xf32, #tpu.memory_space<vmem>>, vector<8x1xf32>
      tpu.vector_store %arg8[%swap3A_98, %swap3A_99], %broadcast_in_dim3A_97 {strides = array<i32>} : memref<8x1xf32, #tpu.memory_space<vmem>>, vector<8x1xf32>,
      %broadcast_in_dim3A_101 = arith.constant 0 : i32
      %broadcast_in_dim3A_102 = vector.broadcast %broadcast_in_dim3A_101 : i32 to vector<8x1xi32>
      %swap3A_103 = arith.constant 0 : index
      %swap3A_104 = arith.constant 0 : index
      %swap3A_105 = vector.load %arg9[%swap3A_103, %swap3A_104] : memref<8x1xi32, #tpu.memory_space<vmem>>, vector<8x1xi32>
      tpu.vector_store %arg9[%swap3A_103, %swap3A_104], %broadcast_in_dim3A_102 {strides = array<i32>} : memref<8x1xi32, #tpu.memory_space<vmem>>, vector<8x1xi32>,
    } else {
    }
    %get3A = arith.constant 0 : index
    %get3A_2 = arith.constant 0 : index
    %get3A_3 = vector.load %arg3[%get3A, %get3A_2] : memref<8x16384xf32, #tpu.memory_space<vmem>>, vector<8x16384xf32>
    %get3A_4 = arith.constant 0 : index
    %get3A_5 = arith.constant 0 : index
    %get3A_6 = vector.load %arg2[%get3A_4, %get3A_5] : memref<8x1xf32, #tpu.memory_space<vmem>>, vector<8x1xf32>
    %max3A = arith.constant 9.99999997E-7 : f32
    %max3A_7 = vector.broadcast %max3A : f32 to vector<8x1xf32>
    %max3A_8 = arith.maximumf %get3A_6, %max3A_7 : vector<8x1xf32>
    %iota3A = tpu.iota {dimensions = array<i32: 1>} : vector<8x16384xi32>
    %mul3A = arith.constant 16384 : i32
    %mul3A_9 = arith.muli %arg1, %mul3A : i32
    %add3A = vector.broadcast %mul3A_9 : i32 to vector<8x16384xi32>
    %add3A_10 = arith.addi %iota3A, %add3A : vector<8x16384xi32>
    %get3A_11 = arith.constant 0 : index
    %get3A_12 = arith.constant 0 : index
    %get3A_13 = vector.load %arg4[%get3A_11, %get3A_12] : memref<8x16384xf32, #tpu.memory_space<vmem>>, vector<8x16384xf32>
    %log3A = math.log %get3A_13 : vector<8x16384xf32>
    %neg3A = arith.constant 0.000000e+00 : f32
    %neg3A_14 = vector.broadcast %neg3A : f32 to vector<8x16384xf32>
    %neg3A_15 = arith.subf %neg3A_14, %log3A : vector<8x16384xf32>
    %log3A_16 = math.log %neg3A_15 : vector<8x16384xf32>
    %neg3A_17 = arith.constant 0.000000e+00 : f32
    %neg3A_18 = vector.broadcast %neg3A_17 : f32 to vector<8x16384xf32>
    %neg3A_19 = arith.subf %neg3A_18, %log3A_16 : vector<8x16384xf32>
    %lt3A = arith.constant 1000000 : i32
    %lt3A_20 = vector.broadcast %lt3A : i32 to vector<8x16384xi32>
    %lt3A_21 = arith.cmpi slt, %add3A_10, %lt3A_20 : vector<8x16384xi32>
    %div3A = vector.broadcast %max3A_8 : vector<8x1xf32> to vector<8x16384xf32>
    %div3A_22 = arith.divf %get3A_3, %div3A : vector<8x16384xf32>
    %add3A_23 = arith.addf %div3A_22, %neg3A_19 : vector<8x16384xf32>
    %jit3A = arith.constant 0xFF800000 : f32
    %broadcast_in_dim3A = vector.broadcast %jit3A : f32 to vector<8x16384xf32>
    %select_n3A = arith.select %lt3A_21, %add3A_23, %broadcast_in_dim3A : vector<8x16384xi1>, vector<8x16384xf32>
    %jit3A_24 = arith.constant 0xFF800000 : f32
    %broadcast_in_dim3A_25 = vector.broadcast %jit3A_24 : f32 to vector<8x16384xf32>
    %select_n3A_26 = arith.select %lt3A_21, %get3A_3, %broadcast_in_dim3A_25 : vector<8x16384xi1>, vector<8x16384xf32>
    %reduce_max3A = arith.constant dense<0xFF800000> : vector<8xf32>
    %reduce_max3A_27 = vector.multi_reduction <maximumf>, %select_n3A, %reduce_max3A [1] : vector<8x16384xf32> to vector<8xf32>
    %broadcast_in_dim3A_28 = vector.shape_cast %reduce_max3A_27 : vector<8xf32> to vector<8x1xf32>
    %eq3A_29 = vector.broadcast %broadcast_in_dim3A_28 : vector<8x1xf32> to vector<8x16384xf32>
    %eq3A_30 = arith.cmpf oeq, %select_n3A, %eq3A_29 : vector<8x16384xf32>
    %jit3A_31 = arith.constant 2147483647 : i32
    %broadcast_in_dim3A_32 = vector.broadcast %jit3A_31 : i32 to vector<8x16384xi32>
    %select_n3A_33 = arith.select %eq3A_30, %add3A_10, %broadcast_in_dim3A_32 : vector<8x16384xi1>, vector<8x16384xi32>
    %reduce_min3A = arith.constant dense<2147483647> : vector<8xi32>
    %reduce_min3A_34 = vector.multi_reduction <minsi>, %select_n3A_33, %reduce_min3A [1] : vector<8x16384xi32> to vector<8xi32>
    %broadcast_in_dim3A_35 = vector.shape_cast %reduce_min3A_34 : vector<8xi32> to vector<8x1xi32>
    %get3A_36 = arith.constant 0 : index
    %get3A_37 = arith.constant 0 : index
    %get3A_38 = vector.load %arg6[%get3A_36, %get3A_37] : memref<8x1xf32, #tpu.memory_space<vmem>>, vector<8x1xf32>
    %gt3A = arith.cmpf ogt, %broadcast_in_dim3A_28, %get3A_38 : vector<8x1xf32>
    %get3A_39 = arith.constant 0 : index
    %get3A_40 = arith.constant 0 : index
    %get3A_41 = vector.load %arg7[%get3A_39, %get3A_40] : memref<8x1xi32, #tpu.memory_space<vmem>>, vector<8x1xi32>
    %select_n3A_42 = arith.select %gt3A, %broadcast_in_dim3A_35, %get3A_41 : vector<8x1xi1>, vector<8x1xi32>
    %swap3A = arith.constant 0 : index
    %swap3A_43 = arith.constant 0 : index
    %swap3A_44 = vector.load %arg7[%swap3A, %swap3A_43] : memref<8x1xi32, #tpu.memory_space<vmem>>, vector<8x1xi32>
    tpu.vector_store %arg7[%swap3A, %swap3A_43], %select_n3A_42 {strides = array<i32>} : memref<8x1xi32, #tpu.memory_space<vmem>>, vector<8x1xi32>,
    %get3A_45 = arith.constant 0 : index
    %get3A_46 = arith.constant 0 : index
    %get3A_47 = vector.load %arg6[%get3A_45, %get3A_46] : memref<8x1xf32, #tpu.memory_space<vmem>>, vector<8x1xf32>
    %select_n3A_48 = arith.select %gt3A, %broadcast_in_dim3A_28, %get3A_47 : vector<8x1xi1>, vector<8x1xf32>
    %swap3A_49 = arith.constant 0 : index
    %swap3A_50 = arith.constant 0 : index
    %swap3A_51 = vector.load %arg6[%swap3A_49, %swap3A_50] : memref<8x1xf32, #tpu.memory_space<vmem>>, vector<8x1xf32>
    tpu.vector_store %arg6[%swap3A_49, %swap3A_50], %select_n3A_48 {strides = array<i32>} : memref<8x1xf32, #tpu.memory_space<vmem>>, vector<8x1xf32>,
    %reduce_max3A_52 = arith.constant dense<0xFF800000> : vector<8xf32>
    %reduce_max3A_53 = vector.multi_reduction <maximumf>, %select_n3A_26, %reduce_max3A_52 [1] : vector<8x16384xf32> to vector<8xf32>
    %broadcast_in_dim3A_54 = vector.shape_cast %reduce_max3A_53 : vector<8xf32> to vector<8x1xf32>
    %eq3A_55 = vector.broadcast %broadcast_in_dim3A_54 : vector<8x1xf32> to vector<8x16384xf32>
    %eq3A_56 = arith.cmpf oeq, %select_n3A_26, %eq3A_55 : vector<8x16384xf32>
    %jit3A_57 = arith.constant 2147483647 : i32
    %broadcast_in_dim3A_58 = vector.broadcast %jit3A_57 : i32 to vector<8x16384xi32>
    %select_n3A_59 = arith.select %eq3A_56, %add3A_10, %broadcast_in_dim3A_58 : vector<8x16384xi1>, vector<8x16384xi32>
    %reduce_min3A_60 = arith.constant dense<2147483647> : vector<8xi32>
    %reduce_min3A_61 = vector.multi_reduction <minsi>, %select_n3A_59, %reduce_min3A_60 [1] : vector<8x16384xi32> to vector<8xi32>
    %broadcast_in_dim3A_62 = vector.shape_cast %reduce_min3A_61 : vector<8xi32> to vector<8x1xi32>
    %get3A_63 = arith.constant 0 : index
    %get3A_64 = arith.constant 0 : index
    %get3A_65 = vector.load %arg8[%get3A_63, %get3A_64] : memref<8x1xf32, #tpu.memory_space<vmem>>, vector<8x1xf32>
    %gt3A_66 = arith.cmpf ogt, %broadcast_in_dim3A_54, %get3A_65 : vector<8x1xf32>
    %get3A_67 = arith.constant 0 : index
    %get3A_68 = arith.constant 0 : index
    %get3A_69 = vector.load %arg9[%get3A_67, %get3A_68] : memref<8x1xi32, #tpu.memory_space<vmem>>, vector<8x1xi32>
    %select_n3A_70 = arith.select %gt3A_66, %broadcast_in_dim3A_62, %get3A_69 : vector<8x1xi1>, vector<8x1xi32>
    %swap3A_71 = arith.constant 0 : index
    %swap3A_72 = arith.constant 0 : index
    %swap3A_73 = vector.load %arg9[%swap3A_71, %swap3A_72] : memref<8x1xi32, #tpu.memory_space<vmem>>, vector<8x1xi32>
    tpu.vector_store %arg9[%swap3A_71, %swap3A_72], %select_n3A_70 {strides = array<i32>} : memref<8x1xi32, #tpu.memory_space<vmem>>, vector<8x1xi32>,
    %get3A_74 = arith.constant 0 : index
    %get3A_75 = arith.constant 0 : index
    %get3A_76 = vector.load %arg8[%get3A_74, %get3A_75] : memref<8x1xf32, #tpu.memory_space<vmem>>, vector<8x1xf32>
    %select_n3A_77 = arith.select %gt3A_66, %broadcast_in_dim3A_54, %get3A_76 : vector<8x1xi1>, vector<8x1xf32>
    %swap3A_78 = arith.constant 0 : index
    %swap3A_79 = arith.constant 0 : index
    %swap3A_80 = vector.load %arg8[%swap3A_78, %swap3A_79] : memref<8x1xf32, #tpu.memory_space<vmem>>, vector<8x1xf32>
    tpu.vector_store %arg8[%swap3A_78, %swap3A_79], %select_n3A_77 {strides = array<i32>} : memref<8x1xf32, #tpu.memory_space<vmem>>, vector<8x1xf32>,
    %eq3A_81 = arith.constant 61 : i32
    %eq3A_82 = arith.cmpi eq, %arg1, %eq3A_81 : i32
    %convert_element_type3A_83 = arith.extui %eq3A_82 : i1 to i32
    %cond3A_84 = arith.constant 0 : i32
    %cond3A_85 = arith.cmpi ne, %convert_element_type3A_83, %cond3A_84 : i32
    scf.if %cond3A_85 {
      %get3A_86 = arith.constant 0 : index
      %get3A_87 = arith.constant 0 : index
      %get3A_88 = vector.load %arg2[%get3A_86, %get3A_87] : memref<8x1xf32, #tpu.memory_space<vmem>>, vector<8x1xf32>
      %le3A = arith.constant 9.99999997E-7 : f32
      %le3A_89 = vector.broadcast %le3A : f32 to vector<8x1xf32>
      %le3A_90 = arith.cmpf ole, %get3A_88, %le3A_89 : vector<8x1xf32>
      %get3A_91 = arith.constant 0 : index
      %get3A_92 = arith.constant 0 : index
      %get3A_93 = vector.load %arg9[%get3A_91, %get3A_92] : memref<8x1xi32, #tpu.memory_space<vmem>>, vector<8x1xi32>
      %get3A_94 = arith.constant 0 : index
      %get3A_95 = arith.constant 0 : index
      %get3A_96 = vector.load %arg7[%get3A_94, %get3A_95] : memref<8x1xi32, #tpu.memory_space<vmem>>, vector<8x1xi32>
      %select_n3A_97 = arith.select %le3A_90, %get3A_93, %get3A_96 : vector<8x1xi1>, vector<8x1xi32>
      %swap3A_98 = arith.constant 0 : index
      %swap3A_99 = arith.constant 0 : index
      %swap3A_100 = vector.load %arg5[%swap3A_98, %swap3A_99] : memref<8x1xi32, #tpu.memory_space<vmem>>, vector<8x1xi32>
      tpu.vector_store %arg5[%swap3A_98, %swap3A_99], %select_n3A_97 {strides = array<i32>} : memref<8x1xi32, #tpu.memory_space<vmem>>, vector<8x1xi32>,
    } else {
    }
    return
  }
  func.func @transform_0(%arg0: i32, %arg1: i32) -> (i32, i32) {
    %add3A = arith.constant 5 : i32
    %add3A_0 = arith.addi %add3A, %arg0 : i32
    %c0_i32 = arith.constant 0 : i32
    %c0_i32_1 = arith.constant 0 : i32
    return %add3A_0, %c0_i32 : i32, i32
  }
  func.func @transform_1(%arg0: i32, %arg1: i32) -> (i32, i32) {
    %add3A = arith.constant 5 : i32
    %add3A_0 = arith.addi %add3A, %arg0 : i32
    %c0_i32 = arith.constant 0 : i32
    return %add3A_0, %arg1 : i32, i32
  }
  func.func @transform_2(%arg0: i32, %arg1: i32) -> (i32, i32) {
    %c0_i32 = arith.constant 0 : i32
    return %arg0, %arg1 : i32, i32
  }
  func.func @transform_3(%arg0: i32, %arg1: i32) -> (i32, i32) {
    %c0_i32 = arith.constant 0 : i32
    %c0_i32_0 = arith.constant 0 : i32
    return %arg0, %c0_i32 : i32, i32
  }
}

</mosaic_0001>

<sc_bundles>
// kernel: _sample.5.cloned.1.call-start
scs
__scs_entry_jumppad:
0x0: {  	(pc) =	sbr.rel $0x88, $3  }
0x1: {  	(tag) =	ssettag $0x0;
	lr =	simm.s32 $0x1  }
0x2: {  	[smem:$0x3F9F] =	sst lr;
	_ =	strace $0xD0000000  }
0x3: {  	_ = 	snop  }
0x4: {  	_ = 	snop  }
0x5: {  	_ = 	snop  }
0x6: {  	_ = 	snop  }
0x7: {  	_ = 	snop  }
__scs_overlays_trampoline_lowered:
0x8: {  	[smem:$0x3FAE] =	sst s0  }
0x9: {  	[smem:$0x3FAF] =	sst s1  }
0xa: {  	[smem:$0x3FB0] =	sst s2  }
0xb: {  	[smem:$0x3FB1] =	sst s3  }
0xc: {  	[smem:$0x3FB2] =	sst s4  }
0xd: {  	[smem:$0x3FB3] =	sst s5  }
0xe: {  	[smem:$0x3FB4] =	sst s6  }
0xf: {  	[smem:$0x3FB5] =	sst s7  }
0x10: {  	[smem:$0x3FB6] =	sst s8  }
0x11: {  	[smem:$0x3FB7] =	sst s9;
	s0 =	simm.s32 @!p0 $0x0  }
0x12: {  	s1 =	sld [smem:$0x3F9D];
	s0 =	simm.s32 @p0 $0x1  }
0x13: {  	[smem:$0x3FB8] =	sst s0;
	s0 =	simm.s32 @!p1 $0x0  }
0x14: {  	s2 =	sld [smem:$0x3F9C];
	s0 =	simm.s32 @p1 $0x1  }
0x15: {  	[smem:$0x3FB9] =	sst s0;
	s0 =	simm.s32 @!p2 $0x0  }
0x16: {  	s3 =	sld [smem:$0x3FDB];
	s0 =	simm.s32 @p2 $0x1  }
0x17: {  	s4 =	simm.s32 $0x1BF5;
	[smem:$0x3FBB] =	sst s0  }
0x18: {  	s0 =	sld [smem:$0x3F9E];
	_ =	swait.ge [sflag:s4], $0x0  }
0x19: {  	s7 =	sld [smem:$0x3F9F]  }
0x1a: {  	s8 =	sadd.s32 $0xFFFFE003, lr  }
0x1b: {  	s9 =	sadd.s32 $0xFFFFFEF7, lr;
	s5 =	simm.s32 $0xFFFFFFFF;
	p2 =	slt.u32 s8, $0xFFFFF086  }
0x1c: {  	p1 =	slt.u32 s9, $0xF7A;
	s5 =	simm.s32 @!p2 $0x0  }
0x1d: {  	s5 =	simm.s32 @p1 $0x1;
	p0 =	seq.s32 s7, s2  }
0x1e: {  	s7 =	smul.u32 @!p0 $0xF7A, s2;
	p2 =	seq.s32 @!p0 s5, $0x0  }
0x1f: {  	s9 =	smul.u32 $0xF7A, s1;
	s8 =	simm.s32 @!p0 $0x1BF5;
	p2 =	por !p2, p0  }
0x20: {  	[sflag:s8] =	ssyncset.s32 @!p0 $0xFFFFF086;
	s6 =	sadd.s32 @!p0 s3, s7;
	s7 =	simm.s32 @!p0 $0x108  }
0x21: {  	s3 =	sadd.s32 s3, s9;
	s6 =	sadd.s32 @!p0 $0x88, s6;
	s7 =	simm.s32 @p2 $0x1082  }
0x22: {  	[simem:s7], [sflag:s8] =	dma.local @!p0 [hbm:s6], $0xF7A  }
0x23: {  	s9 =	sor.u32 $0xD0000000, s2;
	s6 =	simm.s32 $0x108;
	_ =	swait.ge @!p0 [sflag:s8], $0x0  }
0x24: {  	s3 =	sadd.s32 $0x88, s3;
	s6 =	simm.s32 @!p1 $0x1082;
	[sflag:s4] =	ssyncset.s32 $0xFFFFF086  }
0x25: {  	[simem:s6], [sflag:s4] =	dma.local [hbm:s3], $0xF7A  }
0x26: {  	[smem:$0x3F9F] =	sst s1;
	(tag) =	ssettag s2;
	_ =	strace s9  }
0x27: {  	s1 =	sld [smem:$0x3FAF]  }
0x28: {  	s2 =	sld [smem:$0x3FB0]  }
0x29: {  	s4 =	sld [smem:$0x3FB2]  }
0x2a: {  	p0 =	seq.s32 s5, $0x0;
	s5 =	sld [smem:$0x3FB3]  }
0x2b: {  	s6 =	sld [smem:$0x3FB4]  }
0x2c: {  	s7 =	sld [smem:$0x3FB5]  }
0x2d: {  	s3 =	simm.s32 $0x108;
	s8 =	sld [smem:$0x3FB6]  }
0x2e: {  	s3 =	simm.s32 @!p0 $0x1082;
	s9 =	sld [smem:$0x3FB7]  }
0x2f: {  	lr =	sadd.s32 s0, s3;
	s0 =	sld [smem:$0x3FAE]  }
0x30: {  	s3 =	sld [smem:$0x3FB1]  }
0x31: {  	[smem:$0x3FBA] =	sst s10  }
0x32: {  	s10 =	sld [smem:$0x3FB8];
	_ =	sdelay $0x3  }
0x33: {  	p0 =	seq.s32 s10, $0x1;
	s10 =	sld [smem:$0x3FBA];
	_ =	sdelay $0x3  }
0x34: {  	[smem:$0x3FBA] =	sst s10  }
0x35: {  	s10 =	sld [smem:$0x3FB9];
	_ =	sdelay $0x3  }
0x36: {  	p1 =	seq.s32 s10, $0x1;
	s10 =	sld [smem:$0x3FBA];
	_ =	sdelay $0x3  }
0x37: {  	[smem:$0x3FBA] =	sst s10  }
0x38: {  	s10 =	sld [smem:$0x3FBB]  }
0x39: {  	_ = 	snop;
	(pc) =	sbr.ind lr, $3  }
0x3a: {  	_ = 	snop  }
0x3b: {  	_ = 	snop  }
0x3c: {  	p2 =	seq.s32 s10, $0x1;
	s10 =	sld [smem:$0x3FBA]  }
0x3d: {  	_ =	shalt  }
0x3e: {  	_ =	shalt  }
0x3f: {  	_ =	shalt  }
0x40: {  	_ =	shalt  }
0x41: {  	_ =	shalt  }
0x42: {  	_ =	shalt  }
0x43: {  	_ =	shalt  }
0x44: {  	_ =	shalt  }
0x45: {  	_ =	shalt  }
0x46: {  	_ =	shalt  }
0x47: {  	_ =	shalt  }
0x48: {  	_ =	shalt  }
0x49: {  	_ =	shalt  }
0x4a: {  	_ =	shalt  }
0x4b: {  	_ =	shalt  }
0x4c: {  	_ =	shalt  }
0x4d: {  	_ =	shalt  }
0x4e: {  	_ =	shalt  }
0x4f: {  	_ =	shalt  }
0x50: {  	_ =	shalt  }
0x51: {  	_ =	shalt  }
0x52: {  	_ =	shalt  }
0x53: {  	_ =	shalt  }
0x54: {  	_ =	shalt  }
0x55: {  	_ =	shalt  }
0x56: {  	_ =	shalt  }
0x57: {  	_ =	shalt  }
0x58: {  	_ =	shalt  }
0x59: {  	_ =	shalt  }
0x5a: {  	_ =	shalt  }
0x5b: {  	_ =	shalt  }
0x5c: {  	_ =	shalt  }
0x5d: {  	_ =	shalt  }
0x5e: {  	_ =	shalt  }
0x5f: {  	_ =	shalt  }
0x60: {  	_ =	shalt  }
0x61: {  	_ =	shalt  }
0x62: {  	_ =	shalt  }
0x63: {  	_ =	shalt  }
0x64: {  	_ =	shalt  }
0x65: {  	_ =	shalt  }
0x66: {  	_ =	shalt  }
0x67: {  	_ =	shalt  }
0x68: {  	_ =	shalt  }
0x69: {  	_ =	shalt  }
0x6a: {  	_ =	shalt  }
0x6b: {  	_ =	shalt  }
0x6c: {  	_ =	shalt  }
0x6d: {  	_ =	shalt  }
0x6e: {  	_ =	shalt  }
0x6f: {  	_ =	shalt  }
0x70: {  	_ =	shalt  }
0x71: {  	_ =	shalt  }
0x72: {  	_ =	shalt  }
0x73: {  	_ =	shalt  }
0x74: {  	_ =	shalt  }
0x75: {  	_ =	shalt  }
0x76: {  	_ =	shalt  }
0x77: {  	_ =	shalt  }
0x78: {  	_ =	shalt  }
0x79: {  	_ =	shalt  }
0x7a: {  	_ =	shalt  }
0x7b: {  	_ =	shalt  }
0x7c: {  	_ =	shalt  }
0x7d: {  	_ =	shalt  }
0x7e: {  	_ =	shalt  }
0x7f: {  	_ =	shalt  }
0x80: {  	_ =	shalt  }
0x81: {  	_ =	shalt  }
0x82: {  	_ =	shalt  }
0x83: {  	_ =	shalt  }
0x84: {  	_ =	shalt  }
0x85: {  	_ =	shalt  }
0x86: {  	_ =	shalt  }
0x87: {  	_ =	shalt  }
.Lfunc_end0:
.L_simem_size_0:
called_computation_lowered:
.L_overlay_start_0:
0x88: {  	s2 =	sld [smem:$0x3FD9]  }
0x89: {  	s3 =	sld [smem:$0x3FFE];
	_ =	sdelay $0x1  }
0x8a: {  	s1 =	srdreg.scid  }
0x8b: {  	s0 =	sand.u32 $0x1, s1  }
0x8c: {  	s16 =	sshll.u32 s0, $0xA;
	s2 =	sadd.s32 s3, s2  }
0x8d: {  	s2 =	sadd.s32 s2, s16  }
0x8e: {  	[smem:$0x3FC6] =	sst s2  }
0x8f: {  	_ = 	snop  }
0x90: {  	(tm) =	ssettm $0x1  }
0x91: {  	s17 =	sld [smem:$0x3FFB];
	_ =	sdelay $0x3  }
0x92: {  	_ =	strace s17  }
0x93: {  	s2 =	sld [smem:$0x3FFC];
	_ =	sdelay $0x3  }
0x94: {  	_ =	strace s2  }
0x95: {  	s2 =	sld [smem:$0x3FFD];
	_ =	sdelay $0x3  }
0x96: {  	_ =	strace s2  }
0x97: {  	_ =	strace $0x8FFFFFFF  }
0x98: {  	s18 =	sld [smem:$0x3FDB];
	_ =	sdelay $0x1  }
0x99: {  	s19 =	simm.s32 $_scs_section_size  }
0x9a: {  	s4 =	simm.s32 $_size__tile_overlayer_lowered;
	s5 =	simm.s32 $_tile_overlayer_lowered  }
0x9b: {  	s22 =	simm.s32 $0x1BFF;
	s21 =	sshll.u32 s5, $0x1;
	s2 =	sadd.s32 s19, s18  }
0x9c: {  	s6 =	simm.s32 $0x0;
	s20 =	sshll.u32 s4, $0x1;
	s4 =	sadd.s32 s21, s2  }
0x9d: {  	[timem:s6], [sflag:s22] =	dma.local [hbm:s4], s20  }
0x9e: {  	_ =	swait.ge [sflag:s22], s20  }
0x9f: {  	s3 =	ssub.s32 $0x0, s20;
	[sflag:s22] =	ssyncset.done $0x0  }
0xa0: {  	[sflag:s22] =	ssyncadd.s32 s3;
	_ =	sdelay $0x1  }
0xa1: {  	s23 =	simm.s32 $0x1B8B  }
0xa2: {  	_ =	swait.ge [sflag:s23], $0x1  }
0xa3: {  	[sflag:s23] =	ssyncset.done $0x0  }
0xa4: {  	s25 =	simm.s32 $0x1B8E;
	s24 =	sld [smem:$0x3FFE];
	[sflag:s23] =	ssyncadd.s32 $0xFFFFFFFF  }
0xa5: {  	s26 =	simm.s32 $execute0_lowered;
	[smem:$0x3FD2] =	sst s25  }
0xa6: {  	s4 =	sshll.u32 s26, $0x1;
	_ =	strace $0x80000046;
	[dreg:$0x1] =	wrdreg $0xFFFFFFFF  }
0xa7: {  	s28 =	simm.s32 $_size_execute0_lowered;
	s2 =	sadd.s32 s2, s4;
	[dreg:$0x0] =	wrdreg $0x0  }
0xa8: {  	s4 =	sshll.u32 s28, $0x1;
	[dreg:$0x2] =	wrdreg s2  }
0xa9: {  	[dreg:$0x3] =	wrdreg s4  }
0xaa: {  	[dreg:$0x4] =	wrdreg $0xC0  }
0xab: {  	_ =	task [dreg:s6], $0x5FFFF  }
0xac: {  	[dreg:$0x1] =	wrdreg $0xFFFFFFFF  }
0xad: {  	[dreg:$0x0] =	wrdreg $0x60  }
0xae: {  	[dreg:$0x2] =	wrdreg s24  }
0xaf: {  	[dreg:$0x3] =	wrdreg $0x9  }
0xb0: {  	_ =	task.clear_ibuf [dreg:s6], $0x4FFFF;
	_ =	strace $0x90000046  }
0xb1: {  	s29 =	simm.s32 $0x9;
	_ =	strace $0x80000048  }
0xb2: {  	_ =	swait.ge [sflag:s29], $0x1  }
0xb3: {  	[sflag:s29] =	ssyncadd.s32 $0xFFFFFFFF  }
0xb4: {  	_ =	strace $0x90000048  }
0xb5: {  	_ =	sfence  }
0xb6: {  	s30 =	sld [smem:$0x0];
	_ =	sdelay $0x2  }
0xb7: {  	s31 =	sshll.u32 s1, $0xD;
	s1 =	sshrl.u32 s1, $0x2  }
0xb8: {  	s3 =	sand.u32 $0x4000, s31;
	s1 =	sadd.s32 s1, s30  }
0xb9: {  	s0 =	sor.u32 s3, s0;
	s1 =	sshll.u32 s1, $0x11  }
0xba: {  	s0 =	sor.u32 s1, s0  }
0xbb: {  	s0 =	sadd.s32 $0x8F2B, s0  }
0xbc: {  	[sflag:s0] =	ssyncadd.remote.s32 $0x1  }
0xbd: {  	_ =	sfence.sel $0xFFFF  }
0xbe: {  	[dreg:$0x0] =	wrdreg $0xFFFFFFFF;
	(pc) =	sbr.abs _section_cstart, $3  }
0xbf: {  	[dreg:$0x1] =	wrdreg $0xFFFFFFFF  }
0xc0: {  	_ =	task.clear_ibuf [dreg:s6], $0x2FFFF;
	_ =	strace $0x9FFFFFFF  }
0xc1: {  	(tm) =	ssettm $0x7FFFFFFF  }
tec
execute0_lowered:
.L_overlay_start_1:
0x0: {  	(tag) =	ssettag $0x1  }
0x1: {  	s2 =	rddreg [dreg:$0x0]  }
0x2: {  	s0 =	rddreg [dreg:$0x1];
	s4 =	srdreg.scid  }
0x3: {  	s3 =	simm.s32 $0x0;
	s1 =	stileid.u32;
	s4 =	sand.u32 $0x1, s4  }
0x4: {  	[smem:$0x7FF] =	sst s3;
	s6 =	smul.u32 $0x16E360, s1;
	s8 =	sshll.u32 s1, $0x1  }
0x5: {  	s5 =	ssub.s32 $0x2, s4;
	s9 =	smul.u32 $0xB71B0, s4;
	_ =	strace $0x80000047  }
0x6: {  	s4 =	sor.u32 s4, s8;
	s8 =	simm.s32 $0x0;
	s7 =	sshrl.u32 s5, $0x1  }
0x7: {  	v0 =	vlaneseq.u32;
	s4 =	smul.u32 $0xB71B0, s4;
	s5 =	ssub.s32 s5, s7;
	s6 =	sadd.s32 s9, s6  }
0x8: {  	v0 =	vadd.s32 $0x1, v0;
	s7 =	simm.s32 $0x1;
	s5 =	smax.u32 s5, $0x1;
	s6 =	sadd.s32 $0x2625A10, s6  }
.LBB2_1:
0x9: {  	s9 =	smov.u32 s6;
	s10 =	simm.s32 $0x0  }
.LBB2_2:
0xa: {  	s11 =	sadd.s32 $0xFFFFFFF0, s9  }
0xb: {  	v1 =	vadd.s32 s11, v0  }
0xc: {  	v2 =	vshrl.u32 v1, $0x13;
	v3 =	vshll.u32 v1, $0xD  }
0xd: {  	v4 =	vadd.s32 s9, v0;
	v2 =	vor.u32 v2, v3  }
0xe: {  	v5 =	vshll.u32 v4, $0xD;
	v3 =	vshrl.u32 v4, $0x13;
	v2 =	vxor.u32 v1, v2  }
0xf: {  	v3 =	vor.u32 v3, v5;
	v5 =	vshrl.u32 v2, $0x11  }
0x10: {  	v6 =	vshll.u32 v2, $0xF;
	v3 =	vxor.u32 v4, v3;
	v1 =	vadd.s32 v1, v2  }
0x11: {  	v2 =	vor.u32 v5, v6;
	v5 =	vshrl.u32 v3, $0x11;
	v6 =	vshll.u32 v3, $0xF  }
0x12: {  	v3 =	vadd.s32 v4, v3;
	v2 =	vxor.u32 v2, v1;
	v5 =	vor.u32 v5, v6  }
0x13: {  	v6 =	vshrl.u32 v2, $0x6;
	v7 =	vshll.u32 v2, $0x1A;
	v4 =	vxor.u32 v5, v3  }
0x14: {  	v1 =	vadd.s32 v1, v2;
	v2 =	vor.u32 v6, v7;
	v5 =	vshrl.u32 v4, $0x6  }
0x15: {  	v8 =	vshll.u32 v4, $0x1A;
	v3 =	vadd.s32 v3, v4;
	v2 =	vxor.u32 v2, v1  }
0x16: {  	v4 =	vor.u32 v5, v8;
	v6 =	vshrl.u32 v2, $0x1A;
	v7 =	vshll.u32 v2, $0x6  }
0x17: {  	v1 =	vadd.s32 v1, v2;
	v4 =	vxor.u32 v4, v3;
	v2 =	vor.u32 v6, v7  }
0x18: {  	v6 =	vshrl.u32 v4, $0x1A;
	v2 =	vxor.u32 v2, v1  }
0x19: {  	v3 =	vadd.s32 v3, v4;
	v4 =	vshll.u32 v4, $0x6;
	v2 =	vadd.s32 $0x1BD11BDC, v2  }
0x1a: {  	v1 =	vadd.s32 v2, v1;
	v5 =	vshrl.u32 v2, $0xF;
	v2 =	vshll.u32 v2, $0x11  }
0x1b: {  	v4 =	vor.u32 v6, v4;
	v1 =	vadd.s32 $0x1, v1;
	v2 =	vor.u32 v5, v2  }
0x1c: {  	v4 =	vxor.u32 v4, v3;
	v2 =	vxor.u32 v2, v1  }
0x1d: {  	v4 =	vadd.s32 $0x1BD11BDC, v4;
	v5 =	vshrl.u32 v2, $0x3;
	v6 =	vshll.u32 v2, $0x1D  }
0x1e: {  	v3 =	vadd.s32 v4, v3;
	v1 =	vadd.s32 v1, v2;
	v2 =	vor.u32 v5, v6  }
0x1f: {  	v7 =	vshrl.u32 v4, $0xF;
	v4 =	vshll.u32 v4, $0x11;
	v2 =	vxor.u32 v2, v1  }
0x20: {  	v3 =	vadd.s32 $0x1, v3;
	v5 =	vshrl.u32 v2, $0x10;
	v6 =	vshll.u32 v2, $0x10  }
0x21: {  	v4 =	vor.u32 v7, v4;
	v1 =	vadd.s32 v1, v2;
	v2 =	vor.u32 v5, v6  }
0x22: {  	v4 =	vxor.u32 v4, v3;
	v2 =	vxor.u32 v2, v1  }
0x23: {  	v5 =	vshrl.u32 v2, $0x8;
	v6 =	vshll.u32 v2, $0x18;
	v1 =	vadd.s32 v1, v2  }
0x24: {  	v2 =	vor.u32 v5, v6;
	v5 =	vshrl.u32 v4, $0x3;
	v6 =	vshll.u32 v4, $0x1D  }
0x25: {  	v3 =	vadd.s32 v3, v4;
	v2 =	vxor.u32 v2, v1;
	v5 =	vor.u32 v5, v6  }
0x26: {  	v2 =	vadd.s32 $0x2, v2;
	v5 =	vxor.u32 v5, v3  }
0x27: {  	v1 =	vadd.s32 v2, v1;
	v4 =	vshrl.u32 v2, $0x13;
	v2 =	vshll.u32 v2, $0xD  }
0x28: {  	v6 =	vshll.u32 v5, $0x10;
	v1 =	vadd.s32 $0x1BD11BDB, v1;
	v2 =	vor.u32 v4, v2  }
0x29: {  	v3 =	vadd.s32 v3, v5;
	v4 =	vshrl.u32 v5, $0x10;
	v2 =	vxor.u32 v2, v1  }
0x2a: {  	v4 =	vor.u32 v4, v6;
	v6 =	vshrl.u32 v2, $0x11;
	v7 =	vshll.u32 v2, $0xF  }
0x2b: {  	v1 =	vadd.s32 v1, v2;
	v4 =	vxor.u32 v4, v3;
	v2 =	vor.u32 v6, v7  }
0x2c: {  	v5 =	vshrl.u32 v4, $0x8;
	v52 =	vshll.u32 v4, $0x18;
	v2 =	vxor.u32 v2, v1  }
0x2d: {  	v3 =	vadd.s32 v3, v4;
	v6 =	vshrl.u32 v2, $0x6;
	v7 =	vshll.u32 v2, $0x1A  }
0x2e: {  	v4 =	vor.u32 v5, v52;
	v1 =	vadd.s32 v1, v2;
	v2 =	vor.u32 v6, v7  }
0x2f: {  	v4 =	vxor.u32 v4, v3;
	v2 =	vxor.u32 v2, v1  }
0x30: {  	v4 =	vadd.s32 $0x2, v4;
	v5 =	vshrl.u32 v2, $0x1A;
	v6 =	vshll.u32 v2, $0x6  }
0x31: {  	v3 =	vadd.s32 v4, v3;
	v1 =	vadd.s32 v1, v2;
	v2 =	vor.u32 v5, v6  }
0x32: {  	v5 =	vshrl.u32 v4, $0x13;
	v4 =	vshll.u32 v4, $0xD;
	v2 =	vxor.u32 v2, v1  }
0x33: {  	v3 =	vadd.s32 $0x1BD11BDB, v3;
	v4 =	vor.u32 v5, v4;
	v2 =	vadd.s32 $0x4, v2  }
0x34: {  	v4 =	vxor.u32 v4, v3;
	v5 =	vshrl.u32 v2, $0xF;
	v6 =	vshll.u32 v2, $0x11  }
0x35: {  	v1 =	vadd.s32 v1, v2;
	v3 =	vadd.s32 v3, v4;
	v2 =	vor.u32 v5, v6  }
0x36: {  	v5 =	vshrl.u32 v4, $0x11;
	v4 =	vshll.u32 v4, $0xF;
	v2 =	vxor.u32 v2, v1  }
0x37: {  	v4 =	vor.u32 v5, v4;
	v6 =	vshrl.u32 v2, $0x3;
	v7 =	vshll.u32 v2, $0x1D  }
0x38: {  	v1 =	vadd.s32 v1, v2;
	v4 =	vxor.u32 v4, v3;
	v2 =	vor.u32 v6, v7  }
0x39: {  	v5 =	vshrl.u32 v4, $0x6;
	v53 =	vshll.u32 v4, $0x1A;
	v2 =	vxor.u32 v2, v1  }
0x3a: {  	v3 =	vadd.s32 v3, v4;
	v6 =	vshrl.u32 v2, $0x10;
	v7 =	vshll.u32 v2, $0x10  }
0x3b: {  	v5 =	vor.u32 v5, v53;
	v1 =	vadd.s32 v1, v2;
	v2 =	vor.u32 v6, v7  }
0x3c: {  	v5 =	vxor.u32 v5, v3;
	v2 =	vxor.u32 v2, v1  }
0x3d: {  	v4 =	vshrl.u32 v2, $0x8;
	v6 =	vshll.u32 v2, $0x18;
	v1 =	vadd.s32 v1, v2  }
0x3e: {  	v2 =	vor.u32 v4, v6;
	v4 =	vshrl.u32 v5, $0x1A;
	v6 =	vshll.u32 v5, $0x6  }
0x3f: {  	v3 =	vadd.s32 v3, v5;
	v2 =	vxor.u32 v2, v1;
	v4 =	vor.u32 v4, v6  }
0x40: {  	v2 =	vadd.s32 $0x1BD11BDF, v2;
	v4 =	vxor.u32 v4, v3  }
0x41: {  	v1 =	vadd.s32 v2, v1;
	v5 =	vshrl.u32 v2, $0x13;
	v2 =	vshll.u32 v2, $0xD  }
0x42: {  	v4 =	vadd.s32 $0x4, v4;
	v1 =	vadd.s32 $0x1, v1;
	v2 =	vor.u32 v5, v2  }
0x43: {  	v5 =	vshrl.u32 v4, $0xF;
	v54 =	vshll.u32 v4, $0x11;
	v2 =	vxor.u32 v2, v1  }
0x44: {  	v3 =	vadd.s32 v3, v4;
	v6 =	vshrl.u32 v2, $0x11;
	v7 =	vshll.u32 v2, $0xF  }
0x45: {  	v5 =	vor.u32 v5, v54;
	v1 =	vadd.s32 v1, v2;
	v2 =	vor.u32 v6, v7  }
0x46: {  	v4 =	vxor.u32 v5, v3;
	v2 =	vxor.u32 v2, v1  }
0x47: {  	v7 =	vshrl.u32 v4, $0x3;
	v5 =	vshrl.u32 v2, $0x6;
	v6 =	vshll.u32 v2, $0x1A  }
0x48: {  	v1 =	vadd.s32 v1, v2;
	v2 =	vor.u32 v5, v6;
	v5 =	vshll.u32 v4, $0x1D  }
0x49: {  	v3 =	vadd.s32 v3, v4;
	v2 =	vxor.u32 v2, v1;
	v4 =	vor.u32 v7, v5  }
0x4a: {  	v5 =	vshrl.u32 v2, $0x1A;
	v6 =	vshll.u32 v2, $0x6;
	v4 =	vxor.u32 v4, v3  }
0x4b: {  	v1 =	vadd.s32 v1, v2;
	v2 =	vor.u32 v5, v6;
	v5 =	vshrl.u32 v4, $0x10  }
0x4c: {  	v6 =	vshll.u32 v4, $0x10;
	v3 =	vadd.s32 v3, v4;
	v2 =	vxor.u32 v2, v1  }
0x4d: {  	v1 =	vadd.s32 $0x1BD11BDB, v1;
	v4 =	vor.u32 v5, v6;
	v2 =	vadd.s32 $0x5, v2  }
0x4e: {  	s15 =	sadd.s32 $0x20, s9;
	v1 =	vxor.u32 v1, v2;
	v2 =	vxor.u32 v4, v3  }
0x4f: {  	s31 =	sadd.s32 $0xFFFFFFF0, s15;
	v4 =	vshrl.u32 v2, $0x8;
	v5 =	vshll.u32 v2, $0x18  }
0x50: {  	v6 =	vadd.s32 s31, v0;
	v2 =	vadd.s32 v3, v2;
	v3 =	vor.u32 v4, v5  }
0x51: {  	v9 =	vshrl.u32 v6, $0x13;
	v1 =	vshrl.u32 v1, $0x9;
	v3 =	vxor.u32 v3, v2  }
0x52: {  	v1 =	vor.u32 $0x3F800000, v1;
	v5 =	vadd.s32 s15, v0;
	v3 =	vadd.s32 $0x1BD11BDF, v3  }
0x53: {  	v2 =	vadd.s32 v3, v2;
	v4 =	vshrl.u32 v3, $0x13;
	v3 =	vshll.u32 v3, $0xD  }
0x54: {  	v1 =	vadd.f32 $-1.000000000e+00, v1;
	v2 =	vadd.s32 $0x1, v2;
	v3 =	vor.u32 v4, v3  }
0x55: {  	v7 =	vshrl.u32 v5, $0x13;
	v55 =	vshll.u32 v5, $0xD;
	v3 =	vxor.u32 v3, v2  }
0x56: {  	v2 =	vadd.s32 v2, v3;
	v4 =	vshrl.u32 v3, $0x11;
	v3 =	vshll.u32 v3, $0xF  }
0x57: {  	v10 =	vshll.u32 v6, $0xD;
	v3 =	vor.u32 v4, v3;
	v4 =	vor.u32 v7, v55  }
0x58: {  	v1 =	vadd.f32 $1.175494350e-38, v1;
	v7 =	vor.u32 v9, v10;
	v4 =	vxor.u32 v5, v4  }
0x59: {  	v3 =	vxor.u32 v3, v2;
	v7 =	vxor.u32 v6, v7;
	v56 =	vshrl.u32 v4, $0x11  }
0x5a: {  	v57 =	vshrl.u32 v7, $0x11;
	v58 =	vshll.u32 v7, $0xF;
	v11 =	vshll.u32 v4, $0xF  }
0x5b: {  	v6 =	vadd.s32 v6, v7;
	v4 =	vadd.s32 v5, v4;
	v7 =	vor.u32 v57, v58  }
0x5c: {  	v16 =	vshrl.u32 v3, $0x6;
	v8 =	vor.u32 v56, v11;
	v5 =	vxor.u32 v7, v6  }
0x5d: {  	v7 =	vxor.u32 v8, v4;
	v59 =	vshrl.u32 v5, $0x6;
	v60 =	vshll.u32 v5, $0x1A  }
0x5e: {  	v61 =	vshrl.u32 v7, $0x6;
	v5 =	vadd.s32 v6, v5;
	v6 =	vor.u32 v59, v60  }
0x5f: {  	v62 =	vshll.u32 v7, $0x1A;
	v4 =	vadd.s32 v4, v7;
	v6 =	vxor.u32 v6, v5  }
0x60: {  	v7 =	vor.u32 v61, v62;
	v63 =	vshrl.u32 v6, $0x1A;
	v12 =	vshll.u32 v6, $0x6  }
0x61: {  	v7 =	vxor.u32 v7, v4;
	v5 =	vadd.s32 v5, v6;
	v6 =	vor.u32 v63, v12  }
0x62: {  	v13 =	vshrl.u32 v7, $0x1A;
	v14 =	vshll.u32 v7, $0x6;
	v6 =	vxor.u32 v6, v5  }
0x63: {  	v4 =	vadd.s32 v4, v7;
	v7 =	vor.u32 v13, v14;
	v6 =	vadd.s32 $0x1BD11BDC, v6  }
0x64: {  	v5 =	vadd.s32 v6, v5;
	v15 =	vshrl.u32 v6, $0xF;
	v6 =	vshll.u32 v6, $0x11  }
0x65: {  	v7 =	vxor.u32 v7, v4;
	v5 =	vadd.s32 $0x1, v5;
	v6 =	vor.u32 v15, v6  }
0x66: {  	v2 =	vadd.s32 v2, v3;
	v7 =	vadd.s32 $0x1BD11BDC, v7;
	v6 =	vxor.u32 v6, v5  }
0x67: {  	v4 =	vadd.s32 v7, v4;
	v17 =	vshrl.u32 v6, $0x3;
	v18 =	vshll.u32 v6, $0x1D  }
0x68: {  	v19 =	vshrl.u32 v7, $0xF;
	v5 =	vadd.s32 v5, v6;
	v6 =	vor.u32 v17, v18  }
0x69: {  	v7 =	vshll.u32 v7, $0x11;
	v4 =	vadd.s32 $0x1, v4;
	v6 =	vxor.u32 v6, v5  }
0x6a: {  	v7 =	vor.u32 v19, v7;
	v20 =	vshrl.u32 v6, $0x10;
	v21 =	vshll.u32 v6, $0x10  }
0x6b: {  	v7 =	vxor.u32 v7, v4;
	v5 =	vadd.s32 v5, v6;
	v6 =	vor.u32 v20, v21  }
0x6c: {  	v22 =	vshrl.u32 v7, $0x3;
	v23 =	vshll.u32 v7, $0x1D;
	v6 =	vxor.u32 v6, v5  }
0x6d: {  	v4 =	vadd.s32 v4, v7;
	v24 =	vshrl.u32 v6, $0x8;
	v12 =	vshll.u32 v6, $0x18  }
0x6e: {  	v7 =	vshll.u32 v3, $0x1A;
	v5 =	vadd.s32 v5, v6;
	v6 =	vor.u32 v24, v12  }
0x6f: {  	v9 =	vor.u32 v22, v23;
	v7 =	vor.u32 v16, v7;
	v6 =	vxor.u32 v6, v5  }
0x70: {  	v9 =	vxor.u32 v9, v4;
	v7 =	vxor.u32 v7, v2;
	v6 =	vadd.s32 $0x2, v6  }
0x71: {  	v5 =	vadd.s32 v6, v5;
	v26 =	vshrl.u32 v6, $0x13;
	v6 =	vshll.u32 v6, $0xD  }
0x72: {  	v25 =	vshrl.u32 v9, $0x10;
	v5 =	vadd.s32 $0x1BD11BDB, v5;
	v6 =	vor.u32 v26, v6  }
0x73: {  	v27 =	vshll.u32 v9, $0x10;
	v4 =	vadd.s32 v4, v9;
	v6 =	vxor.u32 v6, v5  }
0x74: {  	v3 =	vor.u32 v25, v27;
	v28 =	vshrl.u32 v6, $0x11;
	v29 =	vshll.u32 v6, $0xF  }
0x75: {  	v3 =	vxor.u32 v3, v4;
	v5 =	vadd.s32 v5, v6;
	v6 =	vor.u32 v28, v29  }
0x76: {  	v30 =	vshrl.u32 v3, $0x8;
	v4 =	vadd.s32 v4, v3;
	v6 =	vxor.u32 v6, v5  }
0x77: {  	v3 =	vshll.u32 v3, $0x18;
	v31 =	vshrl.u32 v6, $0x6;
	v32 =	vshll.u32 v6, $0x1A  }
0x78: {  	v3 =	vor.u32 v30, v3;
	v5 =	vadd.s32 v5, v6;
	v6 =	vor.u32 v31, v32  }
0x79: {  	v50 =	vshll.u32 v7, $0x6;
	v3 =	vxor.u32 v3, v4;
	v6 =	vxor.u32 v6, v5  }
0x7a: {  	v3 =	vadd.s32 $0x2, v3;
	v33 =	vshrl.u32 v6, $0x1A;
	v34 =	vshll.u32 v6, $0x6  }
0x7b: {  	v4 =	vadd.s32 v3, v4;
	v5 =	vadd.s32 v5, v6;
	v6 =	vor.u32 v33, v34  }
0x7c: {  	v35 =	vshrl.u32 v3, $0x13;
	v3 =	vshll.u32 v3, $0xD;
	v6 =	vxor.u32 v6, v5  }
0x7d: {  	v4 =	vadd.s32 $0x1BD11BDB, v4;
	v3 =	vor.u32 v35, v3;
	v6 =	vadd.s32 $0x4, v6  }
0x7e: {  	v3 =	vxor.u32 v3, v4;
	v36 =	vshrl.u32 v6, $0xF;
	v37 =	vshll.u32 v6, $0x11  }
0x7f: {  	v38 =	vshrl.u32 v3, $0x11;
	v5 =	vadd.s32 v5, v6;
	v6 =	vor.u32 v36, v37  }
0x80: {  	v4 =	vadd.s32 v4, v3;
	v3 =	vshll.u32 v3, $0xF;
	v6 =	vxor.u32 v6, v5  }
0x81: {  	v3 =	vor.u32 v38, v3;
	v39 =	vshrl.u32 v6, $0x3;
	v40 =	vshll.u32 v6, $0x1D  }
0x82: {  	v3 =	vxor.u32 v3, v4;
	v5 =	vadd.s32 v5, v6;
	v6 =	vor.u32 v39, v40  }
0x83: {  	v2 =	vadd.s32 v2, v7;
	v41 =	vshrl.u32 v3, $0x6;
	v6 =	vxor.u32 v6, v5  }
0x84: {  	v42 =	vshll.u32 v3, $0x1A;
	v43 =	vshrl.u32 v6, $0x10;
	v44 =	vshll.u32 v6, $0x10  }
0x85: {  	v3 =	vadd.s32 v4, v3;
	v5 =	vadd.s32 v5, v6;
	v6 =	vor.u32 v43, v44  }
0x86: {  	v4 =	vshrl.u32 v7, $0x1A;
	v8 =	vor.u32 v41, v42;
	v6 =	vxor.u32 v6, v5  }
0x87: {  	v4 =	vor.u32 v4, v50;
	v45 =	vshrl.u32 v6, $0x8;
	v46 =	vshll.u32 v6, $0x18  }
0x88: {  	v8 =	vxor.u32 v8, v3;
	v5 =	vadd.s32 v5, v6;
	v6 =	vor.u32 v45, v46  }
0x89: {  	v47 =	vshrl.u32 v8, $0x1A;
	v48 =	vshll.u32 v8, $0x6;
	v6 =	vxor.u32 v6, v5  }
0x8a: {  	v3 =	vadd.s32 v3, v8;
	v49 =	vor.u32 v47, v48;
	v6 =	vadd.s32 $0x1BD11BDF, v6  }
0x8b: {  	v5 =	vadd.s32 v6, v5;
	v51 =	vshrl.u32 v6, $0x13;
	v6 =	vshll.u32 v6, $0xD  }
0x8c: {  	v8 =	vxor.u32 v49, v3;
	v5 =	vadd.s32 $0x1, v5;
	v6 =	vor.u32 v51, v6  }
0x8d: {  	v4 =	vxor.u32 v4, v2;
	v8 =	vadd.s32 $0x4, v8;
	v6 =	vxor.u32 v6, v5  }
0x8e: {  	v52 =	vshrl.u32 v8, $0xF;
	v54 =	vshrl.u32 v6, $0x11;
	v55 =	vshll.u32 v6, $0xF  }
0x8f: {  	v53 =	vshll.u32 v8, $0x11;
	v5 =	vadd.s32 v5, v6;
	v6 =	vor.u32 v54, v55  }
0x90: {  	v3 =	vadd.s32 v3, v8;
	v10 =	vor.u32 v52, v53;
	v6 =	vxor.u32 v6, v5  }
0x91: {  	v8 =	vxor.u32 v10, v3;
	v56 =	vshrl.u32 v6, $0x6;
	v57 =	vshll.u32 v6, $0x1A  }
0x92: {  	v58 =	vshrl.u32 v8, $0x3;
	v5 =	vadd.s32 v5, v6;
	v6 =	vor.u32 v56, v57  }
0x93: {  	v59 =	vshll.u32 v8, $0x1D;
	v3 =	vadd.s32 v3, v8;
	v6 =	vxor.u32 v6, v5  }
0x94: {  	v60 =	vor.u32 v58, v59;
	v61 =	vshrl.u32 v6, $0x1A;
	v62 =	vshll.u32 v6, $0x6  }
0x95: {  	v8 =	vxor.u32 v60, v3;
	v5 =	vadd.s32 v5, v6;
	v6 =	vor.u32 v61, v62  }
0x96: {  	v63 =	vshrl.u32 v8, $0x10;
	v3 =	vadd.s32 v3, v8;
	v6 =	vxor.u32 v6, v5  }
0x97: {  	v8 =	vshll.u32 v8, $0x10;
	v5 =	vadd.s32 $0x1BD11BDB, v5;
	v6 =	vadd.s32 $0x5, v6  }
0x98: {  	v2 =	vadd.s32 $0x1BD11BDB, v2;
	v8 =	vor.u32 v63, v8;
	v5 =	vxor.u32 v5, v6  }
0x99: {  	v4 =	vadd.s32 $0x5, v4;
	v6 =	vxor.u32 v8, v3;
	v5 =	vshrl.u32 v5, $0x9  }
0x9a: {  	v7 =	vshrl.u32 v6, $0x8;
	v8 =	vshll.u32 v6, $0x18;
	v5 =	vor.u32 $0x3F800000, v5  }
0x9b: {  	v3 =	vadd.s32 v3, v6;
	v6 =	vor.u32 v7, v8;
	v5 =	vadd.f32 $-1.000000000e+00, v5  }
0x9c: {  	v1 =	vmax.f32 v1, $1.175494350e-38;
	v2 =	vxor.u32 v2, v4;
	v6 =	vxor.u32 v6, v3  }
0x9d: {  	v2 =	vshrl.u32 v2, $0x9;
	v6 =	vadd.s32 $0x1BD11BDF, v6;
	v4 =	vadd.f32 $1.175494350e-38, v5  }
0x9e: {  	v3 =	vadd.s32 v6, v3;
	v5 =	vshrl.u32 v6, $0x13;
	v6 =	vshll.u32 v6, $0xD  }
0x9f: {  	s13 =	smul.u32 $0x1770, s10;
	s11 =	simm.s32 $0x10;
	v2 =	vor.u32 $0x3F800000, v2;
	v3 =	vadd.s32 $0x1, v3;
	v5 =	vor.u32 v5, v6  }
0xa0: {  	s12 =	simm.s32 $0x30;
	[tilespmem:s11+$0xFFFFFFF0] =	vst v1;
	v1 =	vadd.f32 $-1.000000000e+00, v2;
	v4 =	vmax.f32 v4, $1.175494350e-38;
	v5 =	vxor.u32 v5, v3  }
0xa1: {  	s14 =	simm.s32 $0x2;
	s13 =	sadd.s32 s4, s13;
	s15 =	sadd.s32 $0x20, s15;
	[tilespmem:s12+$0xFFFFFFF0] =	vst v4;
	v2 =	vadd.s32 v3, v5;
	v3 =	vshrl.u32 v5, $0x11;
	v4 =	vshll.u32 v5, $0xF  }
.LBB2_3:
0xa2: {  	s16 =	sadd.s32 $0xFFFFFFF0, s15;
	v5 =	vadd.s32 s15, v0;
	s14 =	sadd.s32 $0x2, s14;
	v3 =	vor.u32 v3, v4;
	v1 =	vadd.f32 $1.175494350e-38, v1  }
0xa3: {  	v4 =	vadd.s32 s16, v0;
	v6 =	vshrl.u32 v5, $0x13;
	v7 =	vshll.u32 v5, $0xD;
	p0 =	slt.u32 s14, $0x174  }
0xa4: {  	v8 =	vshrl.u32 v4, $0x13;
	v9 =	vshll.u32 v4, $0xD;
	v6 =	vor.u32 v6, v7  }
0xa5: {  	v3 =	vxor.u32 v3, v2;
	v7 =	vor.u32 v8, v9;
	v6 =	vxor.u32 v5, v6  }
0xa6: {  	v7 =	vxor.u32 v4, v7;
	v8 =	vshrl.u32 v6, $0x11;
	v9 =	vshll.u32 v6, $0xF  }
0xa7: {  	v10 =	vshrl.u32 v7, $0x11;
	v11 =	vshll.u32 v7, $0xF;
	v8 =	vor.u32 v8, v9  }
0xa8: {  	v5 =	vadd.s32 v5, v6;
	v4 =	vadd.s32 v4, v7;
	v7 =	vor.u32 v10, v11  }
0xa9: {  	v6 =	vxor.u32 v7, v4;
	v7 =	vxor.u32 v8, v5;
	v8 =	vshrl.u32 v3, $0x6  }
0xaa: {  	v9 =	vshrl.u32 v6, $0x6;
	v10 =	vshll.u32 v6, $0x1A;
	v11 =	vshrl.u32 v7, $0x6  }
0xab: {  	v4 =	vadd.s32 v4, v6;
	v6 =	vor.u32 v9, v10;
	v9 =	vshll.u32 v7, $0x1A  }
0xac: {  	v5 =	vadd.s32 v5, v7;
	v6 =	vxor.u32 v6, v4;
	v7 =	vor.u32 v11, v9  }
0xad: {  	v9 =	vshrl.u32 v6, $0x1A;
	v10 =	vshll.u32 v6, $0x6;
	v7 =	vxor.u32 v7, v5  }
0xae: {  	v4 =	vadd.s32 v4, v6;
	v6 =	vor.u32 v9, v10;
	v9 =	vshrl.u32 v7, $0x1A  }
0xaf: {  	v5 =	vadd.s32 v5, v7;
	v7 =	vshll.u32 v7, $0x6;
	v6 =	vxor.u32 v6, v4  }
0xb0: {  	v7 =	vor.u32 v9, v7;
	v9 =	vshll.u32 v3, $0x1A;
	v6 =	vadd.s32 $0x1BD11BDC, v6  }
0xb1: {  	v4 =	vadd.s32 v6, v4;
	v10 =	vshrl.u32 v6, $0xF;
	v6 =	vshll.u32 v6, $0x11  }
0xb2: {  	v7 =	vxor.u32 v7, v5;
	v4 =	vadd.s32 $0x1, v4;
	v6 =	vor.u32 v10, v6  }
0xb3: {  	v8 =	vor.u32 v8, v9;
	v7 =	vadd.s32 $0x1BD11BDC, v7;
	v6 =	vxor.u32 v6, v4  }
0xb4: {  	v5 =	vadd.s32 v7, v5;
	v9 =	vshrl.u32 v6, $0x3;
	v10 =	vshll.u32 v6, $0x1D  }
0xb5: {  	v4 =	vadd.s32 v4, v6;
	v6 =	vor.u32 v9, v10;
	v9 =	vshrl.u32 v7, $0xF  }
0xb6: {  	v5 =	vadd.s32 $0x1, v5;
	v7 =	vshll.u32 v7, $0x11;
	v6 =	vxor.u32 v6, v4  }
0xb7: {  	v7 =	vor.u32 v9, v7;
	v10 =	vshrl.u32 v6, $0x10;
	v11 =	vshll.u32 v6, $0x10  }
0xb8: {  	v4 =	vadd.s32 v4, v6;
	v7 =	vxor.u32 v7, v5;
	v6 =	vor.u32 v10, v11  }
0xb9: {  	v9 =	vshrl.u32 v7, $0x3;
	v10 =	vshll.u32 v7, $0x1D;
	v6 =	vxor.u32 v6, v4  }
0xba: {  	v9 =	vor.u32 v9, v10;
	v11 =	vshrl.u32 v6, $0x8;
	v12 =	vshll.u32 v6, $0x18  }
0xbb: {  	v5 =	vadd.s32 v5, v7;
	v4 =	vadd.s32 v4, v6;
	v6 =	vor.u32 v11, v12  }
0xbc: {  	v2 =	vadd.s32 v2, v3;
	v7 =	vxor.u32 v9, v5;
	v6 =	vxor.u32 v6, v4  }
0xbd: {  	v9 =	vshll.u32 v7, $0x10;
	v3 =	vadd.s32 $0x2, v6;
	v6 =	vshrl.u32 v7, $0x10  }
0xbe: {  	v4 =	vadd.s32 v3, v4;
	v10 =	vshrl.u32 v3, $0x13;
	v3 =	vshll.u32 v3, $0xD  }
0xbf: {  	v6 =	vor.u32 v6, v9;
	v4 =	vadd.s32 $0x1BD11BDB, v4;
	v3 =	vor.u32 v10, v3  }
0xc0: {  	v5 =	vadd.s32 v5, v7;
	v7 =	vxor.u32 v8, v2;
	v3 =	vxor.u32 v3, v4  }
0xc1: {  	v6 =	vxor.u32 v6, v5;
	v8 =	vshrl.u32 v3, $0x11;
	v9 =	vshll.u32 v3, $0xF  }
0xc2: {  	v3 =	vadd.s32 v4, v3;
	v4 =	vor.u32 v8, v9;
	v8 =	vshrl.u32 v6, $0x8  }
0xc3: {  	v5 =	vadd.s32 v5, v6;
	v6 =	vshll.u32 v6, $0x18;
	v4 =	vxor.u32 v4, v3  }
0xc4: {  	v6 =	vor.u32 v8, v6;
	v9 =	vshrl.u32 v4, $0x6;
	v10 =	vshll.u32 v4, $0x1A  }
0xc5: {  	v3 =	vadd.s32 v3, v4;
	v6 =	vxor.u32 v6, v5;
	v4 =	vor.u32 v9, v10  }
0xc6: {  	v8 =	vshrl.u32 v7, $0x1A;
	v6 =	vadd.s32 $0x2, v6;
	v4 =	vxor.u32 v4, v3  }
0xc7: {  	v5 =	vadd.s32 v6, v5;
	v9 =	vshrl.u32 v4, $0x1A;
	v10 =	vshll.u32 v4, $0x6  }
0xc8: {  	v3 =	vadd.s32 v3, v4;
	v4 =	vor.u32 v9, v10;
	v9 =	vshrl.u32 v6, $0x13  }
0xc9: {  	v5 =	vadd.s32 $0x1BD11BDB, v5;
	v6 =	vshll.u32 v6, $0xD;
	v4 =	vxor.u32 v4, v3  }
0xca: {  	v6 =	vor.u32 v9, v6;
	v9 =	vshll.u32 v7, $0x6;
	v4 =	vadd.s32 $0x4, v4  }
0xcb: {  	v6 =	vxor.u32 v6, v5;
	v10 =	vshrl.u32 v4, $0xF;
	v11 =	vshll.u32 v4, $0x11  }
0xcc: {  	v3 =	vadd.s32 v3, v4;
	v4 =	vor.u32 v10, v11;
	v10 =	vshrl.u32 v6, $0x11  }
0xcd: {  	v5 =	vadd.s32 v5, v6;
	v6 =	vshll.u32 v6, $0xF;
	v4 =	vxor.u32 v4, v3  }
0xce: {  	v6 =	vor.u32 v10, v6;
	v11 =	vshrl.u32 v4, $0x3;
	v12 =	vshll.u32 v4, $0x1D  }
0xcf: {  	v3 =	vadd.s32 v3, v4;
	v6 =	vxor.u32 v6, v5;
	v4 =	vor.u32 v11, v12  }
0xd0: {  	v10 =	vshrl.u32 v6, $0x6;
	v11 =	vshll.u32 v6, $0x1A;
	v4 =	vxor.u32 v4, v3  }
0xd1: {  	v10 =	vor.u32 v10, v11;
	v12 =	vshrl.u32 v4, $0x10;
	v13 =	vshll.u32 v4, $0x10  }
0xd2: {  	v5 =	vadd.s32 v5, v6;
	v3 =	vadd.s32 v3, v4;
	v4 =	vor.u32 v12, v13  }
0xd3: {  	v8 =	vor.u32 v8, v9;
	v6 =	vxor.u32 v10, v5;
	v4 =	vxor.u32 v4, v3  }
0xd4: {  	v11 =	vshrl.u32 v6, $0x1A;
	v9 =	vshrl.u32 v4, $0x8;
	v10 =	vshll.u32 v4, $0x18  }
0xd5: {  	v3 =	vadd.s32 v3, v4;
	v4 =	vor.u32 v9, v10;
	v9 =	vshll.u32 v6, $0x6  }
0xd6: {  	v5 =	vadd.s32 v5, v6;
	v4 =	vxor.u32 v4, v3;
	v6 =	vor.u32 v11, v9  }
0xd7: {  	v2 =	vadd.s32 v2, v7;
	v4 =	vadd.s32 $0x1BD11BDF, v4;
	v6 =	vxor.u32 v6, v5  }
0xd8: {  	v3 =	vadd.s32 v4, v3;
	v7 =	vshrl.u32 v4, $0x13;
	v4 =	vshll.u32 v4, $0xD  }
0xd9: {  	v6 =	vadd.s32 $0x4, v6;
	v3 =	vadd.s32 $0x1, v3;
	v4 =	vor.u32 v7, v4  }
0xda: {  	v7 =	vshrl.u32 v6, $0xF;
	v9 =	vshll.u32 v6, $0x11;
	v4 =	vxor.u32 v4, v3  }
0xdb: {  	v7 =	vor.u32 v7, v9;
	v10 =	vshrl.u32 v4, $0x11;
	v11 =	vshll.u32 v4, $0xF  }
0xdc: {  	v5 =	vadd.s32 v5, v6;
	v3 =	vadd.s32 v3, v4;
	v4 =	vor.u32 v10, v11  }
0xdd: {  	v6 =	vxor.u32 v7, v5;
	v7 =	vxor.u32 v8, v2;
	v4 =	vxor.u32 v4, v3  }
0xde: {  	v10 =	vshrl.u32 v6, $0x3;
	v8 =	vshrl.u32 v4, $0x6;
	v9 =	vshll.u32 v4, $0x1A  }
0xdf: {  	v3 =	vadd.s32 v3, v4;
	v4 =	vor.u32 v8, v9;
	v8 =	vshll.u32 v6, $0x1D  }
0xe0: {  	v5 =	vadd.s32 v5, v6;
	v4 =	vxor.u32 v4, v3;
	v6 =	vor.u32 v10, v8  }
0xe1: {  	v8 =	vshrl.u32 v4, $0x1A;
	v9 =	vshll.u32 v4, $0x6;
	v6 =	vxor.u32 v6, v5  }
0xe2: {  	v3 =	vadd.s32 v3, v4;
	v4 =	vor.u32 v8, v9;
	v8 =	vshrl.u32 v6, $0x10  }
0xe3: {  	v5 =	vadd.s32 v5, v6;
	v6 =	vshll.u32 v6, $0x10;
	v4 =	vxor.u32 v4, v3  }
0xe4: {  	v3 =	vadd.s32 $0x1BD11BDB, v3;
	v6 =	vor.u32 v8, v6;
	v4 =	vadd.s32 $0x5, v4  }
0xe5: {  	v3 =	vxor.u32 v3, v4;
	v4 =	vxor.u32 v6, v5;
	v6 =	vadd.s32 $0x5, v7  }
0xe6: {  	v3 =	vshrl.u32 v3, $0x9;
	v7 =	vshrl.u32 v4, $0x8;
	v8 =	vshll.u32 v4, $0x18  }
0xe7: {  	v4 =	vadd.s32 v5, v4;
	v3 =	vor.u32 $0x3F800000, v3;
	v5 =	vor.u32 v7, v8  }
0xe8: {  	v2 =	vadd.s32 $0x1BD11BDB, v2;
	v3 =	vadd.f32 $-1.000000000e+00, v3;
	v5 =	vxor.u32 v5, v4  }
0xe9: {  	v1 =	vmax.f32 v1, $1.175494350e-38;
	v2 =	vxor.u32 v2, v6;
	v5 =	vadd.s32 $0x1BD11BDF, v5  }
.Ltmp0:
0xea: {  	v3 =	vadd.f32 $1.175494350e-38, v3;
	v4 =	vadd.s32 v5, v4;
	v6 =	vshrl.u32 v5, $0x13;
	[tilespmem:s11+$0x0] =	vst v1;
	s11 =	smov.u32 s12;
	(pc) =	sbr.rel @p0 .LBB2_3-.Ltmp0, $4  }
0xeb: {  	v2 =	vshrl.u32 v2, $0x9;
	v1 =	vshll.u32 v5, $0xD;
	v4 =	vadd.s32 $0x1, v4  }
0xec: {  	v2 =	vor.u32 $0x3F800000, v2;
	s12 =	sadd.s32 $0x20, s12;
	v1 =	vor.u32 v6, v1;
	v3 =	vmax.f32 v3, $1.175494350e-38  }
0xed: {  	v5 =	vxor.u32 v1, v4;
	v1 =	vadd.f32 $-1.000000000e+00, v2;
	[tilespmem:s12+$0xFFFFFFF0] =	vst v3  }
0xee: {  	s15 =	sadd.s32 $0x20, s15;
	v2 =	vadd.s32 v4, v5;
	v3 =	vshrl.u32 v5, $0x11;
	v4 =	vshll.u32 v5, $0xF  }
0xef: {  	s14 =	sadd.s32 $0x2627160, s13  }
0xf0: {  	v5 =	vadd.s32 s14, v0  }
0xf1: {  	v6 =	vshrl.u32 v5, $0x13;
	v7 =	vshll.u32 v5, $0xD  }
0xf2: {  	v6 =	vor.u32 v6, v7  }
0xf3: {  	v6 =	vxor.u32 v5, v6  }
0xf4: {  	v63 =	vshrl.u32 v6, $0x11;
	v8 =	vshll.u32 v6, $0xF  }
0xf5: {  	v5 =	vadd.s32 v5, v6;
	v11 =	vor.u32 v63, v8  }
0xf6: {  	v6 =	vxor.u32 v11, v5  }
0xf7: {  	v12 =	vshrl.u32 v6, $0x6;
	v13 =	vshll.u32 v6, $0x1A  }
0xf8: {  	v5 =	vadd.s32 v5, v6;
	v14 =	vor.u32 v12, v13  }
0xf9: {  	v6 =	vxor.u32 v14, v5  }
0xfa: {  	v15 =	vshrl.u32 v6, $0x1A;
	v16 =	vshll.u32 v6, $0x6  }
0xfb: {  	v5 =	vadd.s32 v5, v6;
	v17 =	vor.u32 v15, v16  }
0xfc: {  	v6 =	vxor.u32 v17, v5  }
0xfd: {  	v6 =	vadd.s32 $0x1BD11BDC, v6  }
0xfe: {  	v5 =	vadd.s32 v6, v5;
	v18 =	vshrl.u32 v6, $0xF;
	v6 =	vshll.u32 v6, $0x11  }
0xff: {  	v5 =	vadd.s32 $0x1, v5;
	v6 =	vor.u32 v18, v6  }
0x100: {  	v6 =	vxor.u32 v6, v5  }
0x101: {  	v19 =	vshrl.u32 v6, $0x3;
	v20 =	vshll.u32 v6, $0x1D  }
0x102: {  	v5 =	vadd.s32 v5, v6;
	v21 =	vor.u32 v19, v20  }
0x103: {  	v6 =	vxor.u32 v21, v5  }
0x104: {  	v22 =	vshrl.u32 v6, $0x10;
	v23 =	vshll.u32 v6, $0x10  }
0x105: {  	v5 =	vadd.s32 v5, v6;
	v24 =	vor.u32 v22, v23  }
0x106: {  	v6 =	vxor.u32 v24, v5  }
0x107: {  	v25 =	vshrl.u32 v6, $0x8;
	v26 =	vshll.u32 v6, $0x18  }
0x108: {  	v5 =	vadd.s32 v5, v6;
	v27 =	vor.u32 v25, v26  }
0x109: {  	v6 =	vxor.u32 v27, v5  }
0x10a: {  	v6 =	vadd.s32 $0x2, v6  }
0x10b: {  	v5 =	vadd.s32 v6, v5;
	v28 =	vshrl.u32 v6, $0x13;
	v6 =	vshll.u32 v6, $0xD  }
0x10c: {  	v5 =	vadd.s32 $0x1BD11BDB, v5;
	v6 =	vor.u32 v28, v6  }
0x10d: {  	v6 =	vxor.u32 v6, v5  }
0x10e: {  	v29 =	vshrl.u32 v6, $0x11;
	v30 =	vshll.u32 v6, $0xF  }
0x10f: {  	v5 =	vadd.s32 v5, v6;
	v31 =	vor.u32 v29, v30  }
0x110: {  	v6 =	vxor.u32 v31, v5  }
0x111: {  	v32 =	vshrl.u32 v6, $0x6;
	v33 =	vshll.u32 v6, $0x1A  }
0x112: {  	v5 =	vadd.s32 v5, v6;
	v34 =	vor.u32 v32, v33  }
0x113: {  	v6 =	vxor.u32 v34, v5  }
0x114: {  	v35 =	vshrl.u32 v6, $0x1A;
	v36 =	vshll.u32 v6, $0x6  }
0x115: {  	v5 =	vadd.s32 v5, v6;
	v37 =	vor.u32 v35, v36  }
0x116: {  	v6 =	vxor.u32 v37, v5  }
0x117: {  	v6 =	vadd.s32 $0x4, v6  }
0x118: {  	v38 =	vshrl.u32 v6, $0xF;
	v39 =	vshll.u32 v6, $0x11  }
0x119: {  	v5 =	vadd.s32 v5, v6;
	v40 =	vor.u32 v38, v39  }
0x11a: {  	v6 =	vxor.u32 v40, v5  }
0x11b: {  	v41 =	vshrl.u32 v6, $0x3;
	v42 =	vshll.u32 v6, $0x1D  }
0x11c: {  	v5 =	vadd.s32 v5, v6;
	v43 =	vor.u32 v41, v42  }
0x11d: {  	v6 =	vxor.u32 v43, v5  }
0x11e: {  	v44 =	vshrl.u32 v6, $0x10;
	v45 =	vshll.u32 v6, $0x10  }
0x11f: {  	v5 =	vadd.s32 v5, v6;
	v46 =	vor.u32 v44, v45  }
0x120: {  	v6 =	vxor.u32 v46, v5  }
0x121: {  	v47 =	vshrl.u32 v6, $0x8;
	v48 =	vshll.u32 v6, $0x18  }
0x122: {  	v5 =	vadd.s32 v5, v6;
	v49 =	vor.u32 v47, v48  }
0x123: {  	v6 =	vxor.u32 v49, v5  }
0x124: {  	v3 =	vor.u32 v3, v4;
	v50 =	vadd.s32 $0x1BD11BDF, v6  }
0x125: {  	v5 =	vadd.s32 v50, v5;
	v6 =	vshrl.u32 v50, $0x13;
	v4 =	vshll.u32 v50, $0xD  }
0x126: {  	v3 =	vxor.u32 v3, v2;
	v5 =	vadd.s32 $0x1, v5;
	v4 =	vor.u32 v6, v4  }
0x127: {  	v51 =	vshrl.u32 v3, $0x6;
	v52 =	vshll.u32 v3, $0x1A;
	v4 =	vxor.u32 v4, v5  }
0x128: {  	v2 =	vadd.s32 v2, v3;
	v53 =	vshrl.u32 v4, $0x11;
	v54 =	vshll.u32 v4, $0xF  }
0x129: {  	v6 =	vor.u32 v51, v52;
	v3 =	vadd.s32 v5, v4;
	v55 =	vor.u32 v53, v54  }
0x12a: {  	v56 =	vxor.u32 v6, v2;
	v4 =	vxor.u32 v55, v3  }
0x12b: {  	v3 =	vadd.s32 v3, v4;
	v57 =	vshrl.u32 v4, $0x6;
	v4 =	vshll.u32 v4, $0x1A  }
0x12c: {  	v58 =	vshrl.u32 v56, $0x1A;
	v4 =	vor.u32 v57, v4  }
0x12d: {  	v59 =	vshll.u32 v56, $0x6;
	v2 =	vadd.s32 v2, v56;
	v4 =	vxor.u32 v4, v3  }
0x12e: {  	v6 =	vor.u32 v58, v59;
	v60 =	vshrl.u32 v4, $0x1A;
	v61 =	vshll.u32 v4, $0x6  }
0x12f: {  	v63 =	vxor.u32 v6, v2;
	v3 =	vadd.s32 v3, v4;
	v62 =	vor.u32 v60, v61  }
0x130: {  	v2 =	vadd.s32 $0x1BD11BDB, v2;
	v5 =	vadd.s32 $0x5, v63;
	v4 =	vxor.u32 v62, v3  }
0x131: {  	v2 =	vxor.u32 v2, v5;
	v3 =	vadd.s32 $0x1BD11BDB, v3;
	v4 =	vadd.s32 $0x5, v4  }
0x132: {  	v2 =	vshrl.u32 v2, $0x9;
	v3 =	vxor.u32 v3, v4  }
0x133: {  	v2 =	vor.u32 $0x3F800000, v2;
	v3 =	vshrl.u32 v3, $0x9  }
0x134: {  	v2 =	vadd.f32 $-1.000000000e+00, v2;
	v3 =	vor.u32 $0x3F800000, v3  }
0x135: {  	v1 =	vadd.f32 $1.175494350e-38, v1;
	v3 =	vadd.f32 $-1.000000000e+00, v3  }
0x136: {  	v2 =	vadd.f32 $1.175494350e-38, v2  }
0x137: {  	v1 =	vmax.f32 v1, $1.175494350e-38;
	v3 =	vadd.f32 $1.175494350e-38, v3  }
0x138: {  	s10 =	sadd.s32 $0x1, s10;
	[tilespmem:s11+$0x0] =	vst v1;
	v1 =	vmax.f32 v2, $1.175494350e-38  }
0x139: {  	s31 =	sshrl.u32 s13, $0x3;
	p0 =	sne.s32 s10, $0x7D;
	[tilespmem:s12+$0x0] =	vst v1;
	v1 =	vmax.f32 v3, $1.175494350e-38  }
.Ltmp1:
0x13a: {  	s11 =	sadd.s32 s2, s31;
	[tilespmem:$0x1760] =	vst v1;
	(pc) =	sbr.rel @p0 .LBB2_2-.Ltmp1, $4  }
0x13b: {  	[hbm4b:s11+s3] =	stream.linear.scatter [tilespmem:s3], [sflag:$0x1], $0x1770, $0x38;
	[tilespmem:$0x1780] =	vst v63  }
0x13c: {  	_ =	swait.ge [sflag:s7], $0x1770  }
0x13d: {  	[sflag:s7] =	ssyncset.done $0x0  }
0x13e: {  	s9 =	sadd.s32 $0x1770, s9;
	[sflag:s7] =	ssyncadd.s32 $0xFFFFE890  }
0x13f: {  	s8 =	sadd.s32 $0x1, s8  }
0x140: {  	p0 =	sne.s32 s8, s5  }
.Ltmp2:
0x141: {  	_ = 	snop;
	(pc) =	sbr.rel @p0 .LBB2_1-.Ltmp2, $1  }
0x142: {  	_ =	sdelay $0x3  }
0x143: {  	_ =	sfence.sel $0x180000  }
0x144: {  	[bflag:$0x0] =	sbarrier.arrive $0xFFFF  }
0x145: {  	p0 =	sne.s32 s1, $0x0;
	_ =	strace $0x90000047  }
0x146: {  	s0 =	sadd.s32 @!p0 $0x100000, s0;
	[bflag:$0x2] =	sbarrier.arrive $0xFFFF  }
0x147: {  	[sflag:s0] =	ssyncadd.tile.s32 @!p0 $0x1;
	_ =	shalt  }
.Lfunc_end2:
_tile_overlayer_lowered:
.L_overlay_start_2:
0x148: {  	(tag) =	ssettag $0x2  }
0x149: {  	s0 =	rddreg [dreg:$0x0];
	s2 =	stileid.u32  }
0x14a: {  	s1 =	rddreg [dreg:$0x1];
	p0 =	sne.s32 s2, $0x0  }
0x14b: {  	s3 =	rddreg [dreg:$0x2];
	[bflag:$0x3] =	sbarrier.arrive $0xFFFF;
	s2 =	simm.s32 @!p0 $0x1C01  }
0x14c: {  	[timem:s3], [sflag:s2] =	dma.local @!p0 [hbm:s0], s1  }
0x14d: {  	s0 =	simm.s32 @!p0 $0x1  }
0x14e: {  	_ =	swait.ge @!p0 [sflag:s0], s1  }
0x14f: {  	s1 =	ssub.s32 @!p0 $0x0, s1;
	[sflag:s0] =	ssyncset.done @!p0 $0x0  }
0x150: {  	[sflag:s0] =	ssyncadd.s32 @!p0 s1  }
0x151: {  	[bflag:$0x3] =	sbarrier.arrive $0xFFFF  }
0x152: {  	_ =	shalt  }

</sc_bundles>
